<compile_context>
chip_gen: v7x
topology: tpu7x:2x2x1
jax: 0.10.2.dev20260603
libtpu: 0.0.44.dev20260713+nightly
codegen_flags: <defaults>
</compile_context>

<pallas_src>
import jax
import jax.numpy as jnp
from jax import lax
from jax.experimental import pallas as pl
from jax.experimental.pallas import tpu as pltpu
from jax.experimental.pallas import tpu_sc as plsc

N_ROWS = 8192
N_COLS = 2048
NC = 2
NS = 16
NW = NC * NS
ROWS_PER_W = N_ROWS // NW
CHUNK = 8
N_CHUNKS = ROWS_PER_W // CHUNK
N_PAIRS = N_CHUNKS // 2
LANES = 16
COL_VECS = N_COLS // LANES
UNROLL = 4


def _permute_body(x_hbm, idx_hbm, out_hbm, idx_v,
                  in_a, in_b, out_a, out_b,
                  sem_ia, sem_ib, sem_oa, sem_ob):
    wid = lax.axis_index("s") * NC + lax.axis_index("c")
    row0 = wid * ROWS_PER_W

    pltpu.sync_copy(idx_hbm, idx_v)

    def in_slice(ci):
        return x_hbm.at[pl.ds(row0 + ci * CHUNK, CHUNK), :]

    def out_slice(ci):
        return out_hbm.at[pl.ds(row0 + ci * CHUNK, CHUNK), :]

    def start_in(ci, buf, sem):
        pltpu.async_copy(in_slice(ci), buf, sem)

    def wait_in(ci, buf, sem):
        pltpu.make_async_copy(in_slice(ci), buf, sem).wait()

    def start_out(ci, buf, sem):
        pltpu.async_copy(buf, out_slice(ci), sem)

    def wait_out(ci, buf, sem):
        pltpu.make_async_copy(buf, out_slice(ci), sem).wait()

    def permute(in_v, out_v):
        def body(k, _):
            for u in range(2):
                k16 = pl.multiple_of((k * 2 + u) * LANES, LANES)
                cols = idx_v[pl.ds(k16, LANES)]
                vals = []
                for r in range(CHUNK):
                    row_ids = jnp.zeros((LANES,), jnp.int32) + r
                    vals.append(plsc.load_gather(in_v, [row_ids, cols]))
                for r in range(CHUNK):
                    out_v[r, pl.ds(k16, LANES)] = vals[r]
            return 0
        lax.fori_loop(0, COL_VECS // 2, body, 0)

    start_in(0, in_a, sem_ia)
    start_in(1, in_b, sem_ib)

    wait_in(0, in_a, sem_ia)
    permute(in_a, out_a)
    start_out(0, out_a, sem_oa)
    start_in(2, in_a, sem_ia)

    wait_in(1, in_b, sem_ib)
    permute(in_b, out_b)
    start_out(1, out_b, sem_ob)
    start_in(3, in_b, sem_ib)

    def pair_body(g, _):
        ci0 = 2 * g
        ci1 = ci0 + 1

        wait_in(ci0, in_a, sem_ia)
        wait_out(ci0, out_a, sem_oa)
        permute(in_a, out_a)
        start_out(ci0, out_a, sem_oa)
        start_in(jnp.minimum(ci0 + 2, N_CHUNKS - 1), in_a, sem_ia)

        wait_in(ci1, in_b, sem_ib)
        wait_out(ci1, out_b, sem_ob)
        permute(in_b, out_b)
        start_out(ci1, out_b, sem_ob)
        start_in(jnp.minimum(ci1 + 2, N_CHUNKS - 1), in_b, sem_ib)
        return 0

    lax.fori_loop(1, N_PAIRS, pair_body, 0)

    wait_in(N_CHUNKS - 1, in_a, sem_ia)
    wait_in(N_CHUNKS - 1, in_b, sem_ib)
    wait_out(N_CHUNKS - 2, out_a, sem_oa)
    wait_out(N_CHUNKS - 1, out_b, sem_ob)


@jax.jit
def _permute(x, idx):
    kern = pl.kernel(
        _permute_body,
        out_type=jax.ShapeDtypeStruct((N_ROWS, N_COLS), jnp.float32),
        mesh=plsc.VectorSubcoreMesh(core_axis_name="c", subcore_axis_name="s"),
        scratch_types=[
            pltpu.VMEM((N_COLS,), jnp.int32),
            pltpu.VMEM((CHUNK, N_COLS), jnp.float32),
            pltpu.VMEM((CHUNK, N_COLS), jnp.float32),
            pltpu.VMEM((CHUNK, N_COLS), jnp.float32),
            pltpu.VMEM((CHUNK, N_COLS), jnp.float32),
            pltpu.SemaphoreType.DMA,
            pltpu.SemaphoreType.DMA,
            pltpu.SemaphoreType.DMA,
            pltpu.SemaphoreType.DMA,
        ],
        compiler_params=pltpu.CompilerParams(
            needs_layout_passes=False, use_tc_tiling_on_sc=True),
    )
    return kern(x, idx)


def kernel(x, perm, perm_inv, rev):
    idx = jnp.where(rev, perm_inv, perm).astype(jnp.int32)
    return _permute(x, idx)

# --- scband reference (transcript-rebuilt; emitter-appended) ---
"""Pipeline reference for scband-permute-layer-49667001811264 (READ-ONLY COPY).

The authoritative reference and input builder live on the scoring server;
editing this copy changes nothing except your own understanding.
"""

import jax, jax.numpy as jnp
import numpy as np

IN_CHANNELS = 2048
SEED = 42

def _make_perms():
    rng = np.random.RandomState(SEED)
    perm = rng.permutation(IN_CHANNELS)
    perm_inv = np.zeros_like(perm)
    for i, p in enumerate(perm):
        perm_inv[p] = i
    return perm.astype(np.int32), perm_inv.astype(np.int32)

def setup_inputs(seed: int = 0) -> dict:
    key = jax.random.key(seed)
    x = jax.random.normal(key, (8192, IN_CHANNELS), dtype=jnp.float32)
    perm, perm_inv = _make_perms()
    return {"x": x, "perm": jnp.asarray(perm), "perm_inv": jnp.asarray(perm_inv), "rev": jnp.asarray(False)}

def reference(x, perm, perm_inv, rev=False):
    # Faithful to PermuteLayer.forward: gather along channel dim 1.
    # forward returns [x[0][:, self.perm]] (rev=False) or [x[0][:, self.perm_inv]].
    idx = jnp.where(rev, perm_inv, perm)
    out = jnp.take(x, idx, axis=1)
    return out

if __name__ == "__main__":
    import jax
    _d = setup_inputs()
    print(jax.jit(kernel)(*tuple(_d.values())))

</pallas_src>

<mosaic_0001>
#map = affine_map<(d0, d1) -> (0, 0)>
#map1 = affine_map<(d0, d1) -> (0)>
module attributes {stable_mosaic.version = 14 : i64} {
  func.func @_permute_body(%arg0: i32, %arg1: i32, %arg2: memref<8192x2048xf32, #tpu.memory_space<hbm>>, %arg3: memref<2048xi32, #tpu.memory_space<hbm>>, %arg4: memref<8192x2048xf32, #tpu.memory_space<hbm>>, %arg5: memref<2048xi32, #tpu.memory_space<vmem>>, %arg6: memref<8x2048xf32, #tpu.memory_space<vmem>>, %arg7: memref<8x2048xf32, #tpu.memory_space<vmem>>, %arg8: memref<8x2048xf32, #tpu.memory_space<vmem>>, %arg9: memref<8x2048xf32, #tpu.memory_space<vmem>>, %arg10: memref<!tpu.dma_semaphore, #tpu.memory_space<semaphore_mem>>, %arg11: memref<!tpu.dma_semaphore, #tpu.memory_space<semaphore_mem>>, %arg12: memref<!tpu.dma_semaphore, #tpu.memory_space<semaphore_mem>>, %arg13: memref<!tpu.dma_semaphore, #tpu.memory_space<semaphore_mem>>) attributes {dimension_semantics = [#tpu.dimension_semantics<core_parallel>, #tpu.dimension_semantics<subcore_parallel>], iteration_bounds = array<i64: 2, 16>, scalar_prefetch = 0 : i64, scratch_operands = 9 : i64, tpu.core_type = #tpu.core_type<sc_vector_subcore>, window_params = [{transform_indices = #map}, {transform_indices = #map1}, {transform_indices = #map}]} {
    %mul3A = arith.constant 2 : i32
    %mul3A_0 = arith.muli %arg1, %mul3A : i32
    %add3A = arith.addi %mul3A_0, %arg0 : i32
    %mul3A_1 = arith.constant 256 : i32
    %mul3A_2 = arith.muli %add3A, %mul3A_1 : i32
    "tpu.region"() ({
      %run_scoped3A = tpu.sem_alloc : memref<!tpu.dma_semaphore, #tpu.memory_space<semaphore_mem>>
      tpu.enqueue_dma source(%arg3 : memref<2048xi32, #tpu.memory_space<hbm>>) target(%arg5 : memref<2048xi32, #tpu.memory_space<vmem>>) target_semaphore(%run_scoped3A : memref<!tpu.dma_semaphore, #tpu.memory_space<semaphore_mem>>)
      tpu.wait_dma2 semaphore(%run_scoped3A : memref<!tpu.dma_semaphore, #tpu.memory_space<semaphore_mem>>) src(%arg3 : memref<2048xi32, #tpu.memory_space<hbm>>) dst(%arg5 : memref<2048xi32, #tpu.memory_space<vmem>>)
      tpu.yield
    }) : () -> ()
    %add3A_3 = arith.constant 0 : i32
    %add3A_4 = arith.addi %mul3A_2, %add3A_3 : i32
    %dma_start3A = arith.constant 0 : i32
    %dma_start3A_5 = tpu.memref_slice %arg2[%add3A_4, %dma_start3A] : memref<8192x2048xf32, #tpu.memory_space<hbm>> -> memref<8x2048xf32, #tpu.memory_space<hbm>>
    %dma_start3A_6 = arith.constant 0 : i32
    %dma_start3A_7 = tpu.memref_slice %arg2[%add3A_4, %dma_start3A_6] : memref<8192x2048xf32, #tpu.memory_space<hbm>> -> memref<8x2048xf32, #tpu.memory_space<hbm>>
    tpu.enqueue_dma source(%dma_start3A_7 : memref<8x2048xf32, #tpu.memory_space<hbm>>) target(%arg6 : memref<8x2048xf32, #tpu.memory_space<vmem>>) target_semaphore(%arg10 : memref<!tpu.dma_semaphore, #tpu.memory_space<semaphore_mem>>)
    %add3A_8 = arith.constant 8 : i32
    %add3A_9 = arith.addi %mul3A_2, %add3A_8 : i32
    %dma_start3A_10 = arith.constant 0 : i32
    %dma_start3A_11 = tpu.memref_slice %arg2[%add3A_9, %dma_start3A_10] : memref<8192x2048xf32, #tpu.memory_space<hbm>> -> memref<8x2048xf32, #tpu.memory_space<hbm>>
    %dma_start3A_12 = arith.constant 0 : i32
    %dma_start3A_13 = tpu.memref_slice %arg2[%add3A_9, %dma_start3A_12] : memref<8192x2048xf32, #tpu.memory_space<hbm>> -> memref<8x2048xf32, #tpu.memory_space<hbm>>
    tpu.enqueue_dma source(%dma_start3A_13 : memref<8x2048xf32, #tpu.memory_space<hbm>>) target(%arg7 : memref<8x2048xf32, #tpu.memory_space<vmem>>) target_semaphore(%arg11 : memref<!tpu.dma_semaphore, #tpu.memory_space<semaphore_mem>>)
    %add3A_14 = arith.constant 0 : i32
    %add3A_15 = arith.addi %mul3A_2, %add3A_14 : i32
    %dma_wait3A = arith.constant 0 : i32
    %dma_wait3A_16 = tpu.memref_slice %arg2[%add3A_15, %dma_wait3A] : memref<8192x2048xf32, #tpu.memory_space<hbm>> -> memref<8x2048xf32, #tpu.memory_space<hbm>>
    %dma_wait3A_17 = arith.constant 0 : i32
    %dma_wait3A_18 = tpu.memref_slice %arg2[%add3A_15, %dma_wait3A_17] : memref<8192x2048xf32, #tpu.memory_space<hbm>> -> memref<8x2048xf32, #tpu.memory_space<hbm>>
    tpu.wait_dma2 semaphore(%arg10 : memref<!tpu.dma_semaphore, #tpu.memory_space<semaphore_mem>>) src(%dma_wait3A_18 : memref<8x2048xf32, #tpu.memory_space<hbm>>) dst(%arg6 : memref<8x2048xf32, #tpu.memory_space<vmem>>)
    %scan3A = arith.constant 0 : i32
    %scan3A_19 = arith.constant 0 : i32
    %scan3A_20 = arith.constant 64 : i32
    %scan3A_21 = arith.addi %scan3A_19, %scan3A_20 : i32
    %scan3A_22 = arith.constant 1 : i32
    %scan3A_23 = scf.for %scan3A_93 = %scan3A_19 to %scan3A_21 step %scan3A_22 iter_args(%scan3A_94 = %scan3A) -> (i32)  : i32 {
      %mul3A_95 = arith.constant 2 : i32
      %mul3A_96 = arith.muli %scan3A_93, %mul3A_95 : i32
      %add3A_97 = arith.constant 0 : i32
      %add3A_98 = arith.addi %mul3A_96, %add3A_97 : i32
      %mul3A_99 = arith.constant 16 : i32
      %mul3A_100 = arith.muli %add3A_98, %mul3A_99 : i32
      %multiple_of3A = tpu.assume_multiple %mul3A_100, 16 : i32
      %get3A = arith.index_cast %multiple_of3A : i32 to index
      %get3A_101 = tpu.vector_load %arg5[%get3A] {strides = array<i32>} : memref<2048xi32, #tpu.memory_space<vmem>>, vector<16xi32>,
      %broadcast_in_dim3A = arith.constant 0 : i32
      %broadcast_in_dim3A_102 = vector.broadcast %broadcast_in_dim3A : i32 to vector<16xi32>
      %add3A_103 = arith.constant 0 : i32
      %add3A_104 = vector.broadcast %add3A_103 : i32 to vector<16xi32>
      %add3A_105 = arith.addi %broadcast_in_dim3A_102, %add3A_104 : vector<16xi32>
      %gather3A = tpu.vector_load_idx %arg6[%add3A_105, %get3A_101] : memref<8x2048xf32, #tpu.memory_space<vmem>>[vector<16xi32>, vector<16xi32>], vector<16xf32>,
      %broadcast_in_dim3A_106 = arith.constant 0 : i32
      %broadcast_in_dim3A_107 = vector.broadcast %broadcast_in_dim3A_106 : i32 to vector<16xi32>
      %add3A_108 = arith.constant 1 : i32
      %add3A_109 = vector.broadcast %add3A_108 : i32 to vector<16xi32>
      %add3A_110 = arith.addi %broadcast_in_dim3A_107, %add3A_109 : vector<16xi32>
      %gather3A_111 = tpu.vector_load_idx %arg6[%add3A_110, %get3A_101] : memref<8x2048xf32, #tpu.memory_space<vmem>>[vector<16xi32>, vector<16xi32>], vector<16xf32>,
      %broadcast_in_dim3A_112 = arith.constant 0 : i32
      %broadcast_in_dim3A_113 = vector.broadcast %broadcast_in_dim3A_112 : i32 to vector<16xi32>
      %add3A_114 = arith.constant 2 : i32
      %add3A_115 = vector.broadcast %add3A_114 : i32 to vector<16xi32>
      %add3A_116 = arith.addi %broadcast_in_dim3A_113, %add3A_115 : vector<16xi32>
      %gather3A_117 = tpu.vector_load_idx %arg6[%add3A_116, %get3A_101] : memref<8x2048xf32, #tpu.memory_space<vmem>>[vector<16xi32>, vector<16xi32>], vector<16xf32>,
      %broadcast_in_dim3A_118 = arith.constant 0 : i32
      %broadcast_in_dim3A_119 = vector.broadcast %broadcast_in_dim3A_118 : i32 to vector<16xi32>
      %add3A_120 = arith.constant 3 : i32
      %add3A_121 = vector.broadcast %add3A_120 : i32 to vector<16xi32>
      %add3A_122 = arith.addi %broadcast_in_dim3A_119, %add3A_121 : vector<16xi32>
      %gather3A_123 = tpu.vector_load_idx %arg6[%add3A_122, %get3A_101] : memref<8x2048xf32, #tpu.memory_space<vmem>>[vector<16xi32>, vector<16xi32>], vector<16xf32>,
      %broadcast_in_dim3A_124 = arith.constant 0 : i32
      %broadcast_in_dim3A_125 = vector.broadcast %broadcast_in_dim3A_124 : i32 to vector<16xi32>
      %add3A_126 = arith.constant 4 : i32
      %add3A_127 = vector.broadcast %add3A_126 : i32 to vector<16xi32>
      %add3A_128 = arith.addi %broadcast_in_dim3A_125, %add3A_127 : vector<16xi32>
      %gather3A_129 = tpu.vector_load_idx %arg6[%add3A_128, %get3A_101] : memref<8x2048xf32, #tpu.memory_space<vmem>>[vector<16xi32>, vector<16xi32>], vector<16xf32>,
      %broadcast_in_dim3A_130 = arith.constant 0 : i32
      %broadcast_in_dim3A_131 = vector.broadcast %broadcast_in_dim3A_130 : i32 to vector<16xi32>
      %add3A_132 = arith.constant 5 : i32
      %add3A_133 = vector.broadcast %add3A_132 : i32 to vector<16xi32>
      %add3A_134 = arith.addi %broadcast_in_dim3A_131, %add3A_133 : vector<16xi32>
      %gather3A_135 = tpu.vector_load_idx %arg6[%add3A_134, %get3A_101] : memref<8x2048xf32, #tpu.memory_space<vmem>>[vector<16xi32>, vector<16xi32>], vector<16xf32>,
      %broadcast_in_dim3A_136 = arith.constant 0 : i32
      %broadcast_in_dim3A_137 = vector.broadcast %broadcast_in_dim3A_136 : i32 to vector<16xi32>
      %add3A_138 = arith.constant 6 : i32
      %add3A_139 = vector.broadcast %add3A_138 : i32 to vector<16xi32>
      %add3A_140 = arith.addi %broadcast_in_dim3A_137, %add3A_139 : vector<16xi32>
      %gather3A_141 = tpu.vector_load_idx %arg6[%add3A_140, %get3A_101] : memref<8x2048xf32, #tpu.memory_space<vmem>>[vector<16xi32>, vector<16xi32>], vector<16xf32>,
      %broadcast_in_dim3A_142 = arith.constant 0 : i32
      %broadcast_in_dim3A_143 = vector.broadcast %broadcast_in_dim3A_142 : i32 to vector<16xi32>
      %add3A_144 = arith.constant 7 : i32
      %add3A_145 = vector.broadcast %add3A_144 : i32 to vector<16xi32>
      %add3A_146 = arith.addi %broadcast_in_dim3A_143, %add3A_145 : vector<16xi32>
      %gather3A_147 = tpu.vector_load_idx %arg6[%add3A_146, %get3A_101] : memref<8x2048xf32, #tpu.memory_space<vmem>>[vector<16xi32>, vector<16xi32>], vector<16xf32>,
      %swap3A = arith.constant 0 : i32
      %swap3A_148 = arith.index_cast %swap3A : i32 to index
      %swap3A_149 = arith.index_cast %multiple_of3A : i32 to index
      %swap3A_150 = tpu.vector_load %arg8[%swap3A_148, %swap3A_149] {strides = array<i32>} : memref<8x2048xf32, #tpu.memory_space<vmem>>, vector<16xf32>,
      tpu.vector_store %arg8[%swap3A_148, %swap3A_149], %gather3A {strides = array<i32>} : memref<8x2048xf32, #tpu.memory_space<vmem>>, vector<16xf32>,
      %swap3A_151 = arith.constant 1 : i32
      %swap3A_152 = arith.index_cast %swap3A_151 : i32 to index
      %swap3A_153 = arith.index_cast %multiple_of3A : i32 to index
      %swap3A_154 = tpu.vector_load %arg8[%swap3A_152, %swap3A_153] {strides = array<i32>} : memref<8x2048xf32, #tpu.memory_space<vmem>>, vector<16xf32>,
      tpu.vector_store %arg8[%swap3A_152, %swap3A_153], %gather3A_111 {strides = array<i32>} : memref<8x2048xf32, #tpu.memory_space<vmem>>, vector<16xf32>,
      %swap3A_155 = arith.constant 2 : i32
      %swap3A_156 = arith.index_cast %swap3A_155 : i32 to index
      %swap3A_157 = arith.index_cast %multiple_of3A : i32 to index
      %swap3A_158 = tpu.vector_load %arg8[%swap3A_156, %swap3A_157] {strides = array<i32>} : memref<8x2048xf32, #tpu.memory_space<vmem>>, vector<16xf32>,
      tpu.vector_store %arg8[%swap3A_156, %swap3A_157], %gather3A_117 {strides = array<i32>} : memref<8x2048xf32, #tpu.memory_space<vmem>>, vector<16xf32>,
      %swap3A_159 = arith.constant 3 : i32
      %swap3A_160 = arith.index_cast %swap3A_159 : i32 to index
      %swap3A_161 = arith.index_cast %multiple_of3A : i32 to index
      %swap3A_162 = tpu.vector_load %arg8[%swap3A_160, %swap3A_161] {strides = array<i32>} : memref<8x2048xf32, #tpu.memory_space<vmem>>, vector<16xf32>,
      tpu.vector_store %arg8[%swap3A_160, %swap3A_161], %gather3A_123 {strides = array<i32>} : memref<8x2048xf32, #tpu.memory_space<vmem>>, vector<16xf32>,
      %swap3A_163 = arith.constant 4 : i32
      %swap3A_164 = arith.index_cast %swap3A_163 : i32 to index
      %swap3A_165 = arith.index_cast %multiple_of3A : i32 to index
      %swap3A_166 = tpu.vector_load %arg8[%swap3A_164, %swap3A_165] {strides = array<i32>} : memref<8x2048xf32, #tpu.memory_space<vmem>>, vector<16xf32>,
      tpu.vector_store %arg8[%swap3A_164, %swap3A_165], %gather3A_129 {strides = array<i32>} : memref<8x2048xf32, #tpu.memory_space<vmem>>, vector<16xf32>,
      %swap3A_167 = arith.constant 5 : i32
      %swap3A_168 = arith.index_cast %swap3A_167 : i32 to index
      %swap3A_169 = arith.index_cast %multiple_of3A : i32 to index
      %swap3A_170 = tpu.vector_load %arg8[%swap3A_168, %swap3A_169] {strides = array<i32>} : memref<8x2048xf32, #tpu.memory_space<vmem>>, vector<16xf32>,
      tpu.vector_store %arg8[%swap3A_168, %swap3A_169], %gather3A_135 {strides = array<i32>} : memref<8x2048xf32, #tpu.memory_space<vmem>>, vector<16xf32>,
      %swap3A_171 = arith.constant 6 : i32
      %swap3A_172 = arith.index_cast %swap3A_171 : i32 to index
      %swap3A_173 = arith.index_cast %multiple_of3A : i32 to index
      %swap3A_174 = tpu.vector_load %arg8[%swap3A_172, %swap3A_173] {strides = array<i32>} : memref<8x2048xf32, #tpu.memory_space<vmem>>, vector<16xf32>,
      tpu.vector_store %arg8[%swap3A_172, %swap3A_173], %gather3A_141 {strides = array<i32>} : memref<8x2048xf32, #tpu.memory_space<vmem>>, vector<16xf32>,
      %swap3A_175 = arith.constant 7 : i32
      %swap3A_176 = arith.index_cast %swap3A_175 : i32 to index
      %swap3A_177 = arith.index_cast %multiple_of3A : i32 to index
      %swap3A_178 = tpu.vector_load %arg8[%swap3A_176, %swap3A_177] {strides = array<i32>} : memref<8x2048xf32, #tpu.memory_space<vmem>>, vector<16xf32>,
      tpu.vector_store %arg8[%swap3A_176, %swap3A_177], %gather3A_147 {strides = array<i32>} : memref<8x2048xf32, #tpu.memory_space<vmem>>, vector<16xf32>,
      %mul3A_179 = arith.constant 2 : i32
      %mul3A_180 = arith.muli %scan3A_93, %mul3A_179 : i32
      %add3A_181 = arith.constant 1 : i32
      %add3A_182 = arith.addi %mul3A_180, %add3A_181 : i32
      %mul3A_183 = arith.constant 16 : i32
      %mul3A_184 = arith.muli %add3A_182, %mul3A_183 : i32
      %multiple_of3A_185 = tpu.assume_multiple %mul3A_184, 16 : i32
      %get3A_186 = arith.index_cast %multiple_of3A_185 : i32 to index
      %get3A_187 = tpu.vector_load %arg5[%get3A_186] {strides = array<i32>} : memref<2048xi32, #tpu.memory_space<vmem>>, vector<16xi32>,
      %broadcast_in_dim3A_188 = arith.constant 0 : i32
      %broadcast_in_dim3A_189 = vector.broadcast %broadcast_in_dim3A_188 : i32 to vector<16xi32>
      %add3A_190 = arith.constant 0 : i32
      %add3A_191 = vector.broadcast %add3A_190 : i32 to vector<16xi32>
      %add3A_192 = arith.addi %broadcast_in_dim3A_189, %add3A_191 : vector<16xi32>
      %gather3A_193 = tpu.vector_load_idx %arg6[%add3A_192, %get3A_187] : memref<8x2048xf32, #tpu.memory_space<vmem>>[vector<16xi32>, vector<16xi32>], vector<16xf32>,
      %broadcast_in_dim3A_194 = arith.constant 0 : i32
      %broadcast_in_dim3A_195 = vector.broadcast %broadcast_in_dim3A_194 : i32 to vector<16xi32>
      %add3A_196 = arith.constant 1 : i32
      %add3A_197 = vector.broadcast %add3A_196 : i32 to vector<16xi32>
      %add3A_198 = arith.addi %broadcast_in_dim3A_195, %add3A_197 : vector<16xi32>
      %gather3A_199 = tpu.vector_load_idx %arg6[%add3A_198, %get3A_187] : memref<8x2048xf32, #tpu.memory_space<vmem>>[vector<16xi32>, vector<16xi32>], vector<16xf32>,
      %broadcast_in_dim3A_200 = arith.constant 0 : i32
      %broadcast_in_dim3A_201 = vector.broadcast %broadcast_in_dim3A_200 : i32 to vector<16xi32>
      %add3A_202 = arith.constant 2 : i32
      %add3A_203 = vector.broadcast %add3A_202 : i32 to vector<16xi32>
      %add3A_204 = arith.addi %broadcast_in_dim3A_201, %add3A_203 : vector<16xi32>
      %gather3A_205 = tpu.vector_load_idx %arg6[%add3A_204, %get3A_187] : memref<8x2048xf32, #tpu.memory_space<vmem>>[vector<16xi32>, vector<16xi32>], vector<16xf32>,
      %broadcast_in_dim3A_206 = arith.constant 0 : i32
      %broadcast_in_dim3A_207 = vector.broadcast %broadcast_in_dim3A_206 : i32 to vector<16xi32>
      %add3A_208 = arith.constant 3 : i32
      %add3A_209 = vector.broadcast %add3A_208 : i32 to vector<16xi32>
      %add3A_210 = arith.addi %broadcast_in_dim3A_207, %add3A_209 : vector<16xi32>
      %gather3A_211 = tpu.vector_load_idx %arg6[%add3A_210, %get3A_187] : memref<8x2048xf32, #tpu.memory_space<vmem>>[vector<16xi32>, vector<16xi32>], vector<16xf32>,
      %broadcast_in_dim3A_212 = arith.constant 0 : i32
      %broadcast_in_dim3A_213 = vector.broadcast %broadcast_in_dim3A_212 : i32 to vector<16xi32>
      %add3A_214 = arith.constant 4 : i32
      %add3A_215 = vector.broadcast %add3A_214 : i32 to vector<16xi32>
      %add3A_216 = arith.addi %broadcast_in_dim3A_213, %add3A_215 : vector<16xi32>
      %gather3A_217 = tpu.vector_load_idx %arg6[%add3A_216, %get3A_187] : memref<8x2048xf32, #tpu.memory_space<vmem>>[vector<16xi32>, vector<16xi32>], vector<16xf32>,
      %broadcast_in_dim3A_218 = arith.constant 0 : i32
      %broadcast_in_dim3A_219 = vector.broadcast %broadcast_in_dim3A_218 : i32 to vector<16xi32>
      %add3A_220 = arith.constant 5 : i32
      %add3A_221 = vector.broadcast %add3A_220 : i32 to vector<16xi32>
      %add3A_222 = arith.addi %broadcast_in_dim3A_219, %add3A_221 : vector<16xi32>
      %gather3A_223 = tpu.vector_load_idx %arg6[%add3A_222, %get3A_187] : memref<8x2048xf32, #tpu.memory_space<vmem>>[vector<16xi32>, vector<16xi32>], vector<16xf32>,
      %broadcast_in_dim3A_224 = arith.constant 0 : i32
      %broadcast_in_dim3A_225 = vector.broadcast %broadcast_in_dim3A_224 : i32 to vector<16xi32>
      %add3A_226 = arith.constant 6 : i32
      %add3A_227 = vector.broadcast %add3A_226 : i32 to vector<16xi32>
      %add3A_228 = arith.addi %broadcast_in_dim3A_225, %add3A_227 : vector<16xi32>
      %gather3A_229 = tpu.vector_load_idx %arg6[%add3A_228, %get3A_187] : memref<8x2048xf32, #tpu.memory_space<vmem>>[vector<16xi32>, vector<16xi32>], vector<16xf32>,
      %broadcast_in_dim3A_230 = arith.constant 0 : i32
      %broadcast_in_dim3A_231 = vector.broadcast %broadcast_in_dim3A_230 : i32 to vector<16xi32>
      %add3A_232 = arith.constant 7 : i32
      %add3A_233 = vector.broadcast %add3A_232 : i32 to vector<16xi32>
      %add3A_234 = arith.addi %broadcast_in_dim3A_231, %add3A_233 : vector<16xi32>
      %gather3A_235 = tpu.vector_load_idx %arg6[%add3A_234, %get3A_187] : memref<8x2048xf32, #tpu.memory_space<vmem>>[vector<16xi32>, vector<16xi32>], vector<16xf32>,
      %swap3A_236 = arith.constant 0 : i32
      %swap3A_237 = arith.index_cast %swap3A_236 : i32 to index
      %swap3A_238 = arith.index_cast %multiple_of3A_185 : i32 to index
      %swap3A_239 = tpu.vector_load %arg8[%swap3A_237, %swap3A_238] {strides = array<i32>} : memref<8x2048xf32, #tpu.memory_space<vmem>>, vector<16xf32>,
      tpu.vector_store %arg8[%swap3A_237, %swap3A_238], %gather3A_193 {strides = array<i32>} : memref<8x2048xf32, #tpu.memory_space<vmem>>, vector<16xf32>,
      %swap3A_240 = arith.constant 1 : i32
      %swap3A_241 = arith.index_cast %swap3A_240 : i32 to index
      %swap3A_242 = arith.index_cast %multiple_of3A_185 : i32 to index
      %swap3A_243 = tpu.vector_load %arg8[%swap3A_241, %swap3A_242] {strides = array<i32>} : memref<8x2048xf32, #tpu.memory_space<vmem>>, vector<16xf32>,
      tpu.vector_store %arg8[%swap3A_241, %swap3A_242], %gather3A_199 {strides = array<i32>} : memref<8x2048xf32, #tpu.memory_space<vmem>>, vector<16xf32>,
      %swap3A_244 = arith.constant 2 : i32
      %swap3A_245 = arith.index_cast %swap3A_244 : i32 to index
      %swap3A_246 = arith.index_cast %multiple_of3A_185 : i32 to index
      %swap3A_247 = tpu.vector_load %arg8[%swap3A_245, %swap3A_246] {strides = array<i32>} : memref<8x2048xf32, #tpu.memory_space<vmem>>, vector<16xf32>,
      tpu.vector_store %arg8[%swap3A_245, %swap3A_246], %gather3A_205 {strides = array<i32>} : memref<8x2048xf32, #tpu.memory_space<vmem>>, vector<16xf32>,
      %swap3A_248 = arith.constant 3 : i32
      %swap3A_249 = arith.index_cast %swap3A_248 : i32 to index
      %swap3A_250 = arith.index_cast %multiple_of3A_185 : i32 to index
      %swap3A_251 = tpu.vector_load %arg8[%swap3A_249, %swap3A_250] {strides = array<i32>} : memref<8x2048xf32, #tpu.memory_space<vmem>>, vector<16xf32>,
      tpu.vector_store %arg8[%swap3A_249, %swap3A_250], %gather3A_211 {strides = array<i32>} : memref<8x2048xf32, #tpu.memory_space<vmem>>, vector<16xf32>,
      %swap3A_252 = arith.constant 4 : i32
      %swap3A_253 = arith.index_cast %swap3A_252 : i32 to index
      %swap3A_254 = arith.index_cast %multiple_of3A_185 : i32 to index
      %swap3A_255 = tpu.vector_load %arg8[%swap3A_253, %swap3A_254] {strides = array<i32>} : memref<8x2048xf32, #tpu.memory_space<vmem>>, vector<16xf32>,
      tpu.vector_store %arg8[%swap3A_253, %swap3A_254], %gather3A_217 {strides = array<i32>} : memref<8x2048xf32, #tpu.memory_space<vmem>>, vector<16xf32>,
      %swap3A_256 = arith.constant 5 : i32
      %swap3A_257 = arith.index_cast %swap3A_256 : i32 to index
      %swap3A_258 = arith.index_cast %multiple_of3A_185 : i32 to index
      %swap3A_259 = tpu.vector_load %arg8[%swap3A_257, %swap3A_258] {strides = array<i32>} : memref<8x2048xf32, #tpu.memory_space<vmem>>, vector<16xf32>,
      tpu.vector_store %arg8[%swap3A_257, %swap3A_258], %gather3A_223 {strides = array<i32>} : memref<8x2048xf32, #tpu.memory_space<vmem>>, vector<16xf32>,
      %swap3A_260 = arith.constant 6 : i32
      %swap3A_261 = arith.index_cast %swap3A_260 : i32 to index
      %swap3A_262 = arith.index_cast %multiple_of3A_185 : i32 to index
      %swap3A_263 = tpu.vector_load %arg8[%swap3A_261, %swap3A_262] {strides = array<i32>} : memref<8x2048xf32, #tpu.memory_space<vmem>>, vector<16xf32>,
      tpu.vector_store %arg8[%swap3A_261, %swap3A_262], %gather3A_229 {strides = array<i32>} : memref<8x2048xf32, #tpu.memory_space<vmem>>, vector<16xf32>,
      %swap3A_264 = arith.constant 7 : i32
      %swap3A_265 = arith.index_cast %swap3A_264 : i32 to index
      %swap3A_266 = arith.index_cast %multiple_of3A_185 : i32 to index
      %swap3A_267 = tpu.vector_load %arg8[%swap3A_265, %swap3A_266] {strides = array<i32>} : memref<8x2048xf32, #tpu.memory_space<vmem>>, vector<16xf32>,
      tpu.vector_store %arg8[%swap3A_265, %swap3A_266], %gather3A_235 {strides = array<i32>} : memref<8x2048xf32, #tpu.memory_space<vmem>>, vector<16xf32>,
      %scan3A_268 = arith.constant 0 : i32
      scf.yield %scan3A_268 : i32
    }
    %scan3A_24 = arith.constant 64 : i32
    %add3A_25 = arith.constant 0 : i32
    %add3A_26 = arith.addi %mul3A_2, %add3A_25 : i32
    %dma_start3A_27 = arith.constant 0 : i32
    %dma_start3A_28 = tpu.memref_slice %arg4[%add3A_26, %dma_start3A_27] : memref<8192x2048xf32, #tpu.memory_space<hbm>> -> memref<8x2048xf32, #tpu.memory_space<hbm>>
    %dma_start3A_29 = arith.constant 0 : i32
    %dma_start3A_30 = tpu.memref_slice %arg4[%add3A_26, %dma_start3A_29] : memref<8192x2048xf32, #tpu.memory_space<hbm>> -> memref<8x2048xf32, #tpu.memory_space<hbm>>
    tpu.enqueue_dma source(%arg8 : memref<8x2048xf32, #tpu.memory_space<vmem>>) target(%dma_start3A_30 : memref<8x2048xf32, #tpu.memory_space<hbm>>) target_semaphore(%arg12 : memref<!tpu.dma_semaphore, #tpu.memory_space<semaphore_mem>>)
    %add3A_31 = arith.constant 16 : i32
    %add3A_32 = arith.addi %mul3A_2, %add3A_31 : i32
    %dma_start3A_33 = arith.constant 0 : i32
    %dma_start3A_34 = tpu.memref_slice %arg2[%add3A_32, %dma_start3A_33] : memref<8192x2048xf32, #tpu.memory_space<hbm>> -> memref<8x2048xf32, #tpu.memory_space<hbm>>
    %dma_start3A_35 = arith.constant 0 : i32
    %dma_start3A_36 = tpu.memref_slice %arg2[%add3A_32, %dma_start3A_35] : memref<8192x2048xf32, #tpu.memory_space<hbm>> -> memref<8x2048xf32, #tpu.memory_space<hbm>>
    tpu.enqueue_dma source(%dma_start3A_36 : memref<8x2048xf32, #tpu.memory_space<hbm>>) target(%arg6 : memref<8x2048xf32, #tpu.memory_space<vmem>>) target_semaphore(%arg10 : memref<!tpu.dma_semaphore, #tpu.memory_space<semaphore_mem>>)
    %add3A_37 = arith.constant 8 : i32
    %add3A_38 = arith.addi %mul3A_2, %add3A_37 : i32
    %dma_wait3A_39 = arith.constant 0 : i32
    %dma_wait3A_40 = tpu.memref_slice %arg2[%add3A_38, %dma_wait3A_39] : memref<8192x2048xf32, #tpu.memory_space<hbm>> -> memref<8x2048xf32, #tpu.memory_space<hbm>>
    %dma_wait3A_41 = arith.constant 0 : i32
    %dma_wait3A_42 = tpu.memref_slice %arg2[%add3A_38, %dma_wait3A_41] : memref<8192x2048xf32, #tpu.memory_space<hbm>> -> memref<8x2048xf32, #tpu.memory_space<hbm>>
    tpu.wait_dma2 semaphore(%arg11 : memref<!tpu.dma_semaphore, #tpu.memory_space<semaphore_mem>>) src(%dma_wait3A_42 : memref<8x2048xf32, #tpu.memory_space<hbm>>) dst(%arg7 : memref<8x2048xf32, #tpu.memory_space<vmem>>)
    %scan3A_43 = arith.constant 0 : i32
    %scan3A_44 = arith.constant 0 : i32
    %scan3A_45 = arith.constant 64 : i32
    %scan3A_46 = arith.addi %scan3A_44, %scan3A_45 : i32
    %scan3A_47 = arith.constant 1 : i32
    %scan3A_48 = scf.for %scan3A_93 = %scan3A_44 to %scan3A_46 step %scan3A_47 iter_args(%scan3A_94 = %scan3A_43) -> (i32)  : i32 {
      %mul3A_95 = arith.constant 2 : i32
      %mul3A_96 = arith.muli %scan3A_93, %mul3A_95 : i32
      %add3A_97 = arith.constant 0 : i32
      %add3A_98 = arith.addi %mul3A_96, %add3A_97 : i32
      %mul3A_99 = arith.constant 16 : i32
      %mul3A_100 = arith.muli %add3A_98, %mul3A_99 : i32
      %multiple_of3A = tpu.assume_multiple %mul3A_100, 16 : i32
      %get3A = arith.index_cast %multiple_of3A : i32 to index
      %get3A_101 = tpu.vector_load %arg5[%get3A] {strides = array<i32>} : memref<2048xi32, #tpu.memory_space<vmem>>, vector<16xi32>,
      %broadcast_in_dim3A = arith.constant 0 : i32
      %broadcast_in_dim3A_102 = vector.broadcast %broadcast_in_dim3A : i32 to vector<16xi32>
      %add3A_103 = arith.constant 0 : i32
      %add3A_104 = vector.broadcast %add3A_103 : i32 to vector<16xi32>
      %add3A_105 = arith.addi %broadcast_in_dim3A_102, %add3A_104 : vector<16xi32>
      %gather3A = tpu.vector_load_idx %arg7[%add3A_105, %get3A_101] : memref<8x2048xf32, #tpu.memory_space<vmem>>[vector<16xi32>, vector<16xi32>], vector<16xf32>,
      %broadcast_in_dim3A_106 = arith.constant 0 : i32
      %broadcast_in_dim3A_107 = vector.broadcast %broadcast_in_dim3A_106 : i32 to vector<16xi32>
      %add3A_108 = arith.constant 1 : i32
      %add3A_109 = vector.broadcast %add3A_108 : i32 to vector<16xi32>
      %add3A_110 = arith.addi %broadcast_in_dim3A_107, %add3A_109 : vector<16xi32>
      %gather3A_111 = tpu.vector_load_idx %arg7[%add3A_110, %get3A_101] : memref<8x2048xf32, #tpu.memory_space<vmem>>[vector<16xi32>, vector<16xi32>], vector<16xf32>,
      %broadcast_in_dim3A_112 = arith.constant 0 : i32
      %broadcast_in_dim3A_113 = vector.broadcast %broadcast_in_dim3A_112 : i32 to vector<16xi32>
      %add3A_114 = arith.constant 2 : i32
      %add3A_115 = vector.broadcast %add3A_114 : i32 to vector<16xi32>
      %add3A_116 = arith.addi %broadcast_in_dim3A_113, %add3A_115 : vector<16xi32>
      %gather3A_117 = tpu.vector_load_idx %arg7[%add3A_116, %get3A_101] : memref<8x2048xf32, #tpu.memory_space<vmem>>[vector<16xi32>, vector<16xi32>], vector<16xf32>,
      %broadcast_in_dim3A_118 = arith.constant 0 : i32
      %broadcast_in_dim3A_119 = vector.broadcast %broadcast_in_dim3A_118 : i32 to vector<16xi32>
      %add3A_120 = arith.constant 3 : i32
      %add3A_121 = vector.broadcast %add3A_120 : i32 to vector<16xi32>
      %add3A_122 = arith.addi %broadcast_in_dim3A_119, %add3A_121 : vector<16xi32>
      %gather3A_123 = tpu.vector_load_idx %arg7[%add3A_122, %get3A_101] : memref<8x2048xf32, #tpu.memory_space<vmem>>[vector<16xi32>, vector<16xi32>], vector<16xf32>,
      %broadcast_in_dim3A_124 = arith.constant 0 : i32
      %broadcast_in_dim3A_125 = vector.broadcast %broadcast_in_dim3A_124 : i32 to vector<16xi32>
      %add3A_126 = arith.constant 4 : i32
      %add3A_127 = vector.broadcast %add3A_126 : i32 to vector<16xi32>
      %add3A_128 = arith.addi %broadcast_in_dim3A_125, %add3A_127 : vector<16xi32>
      %gather3A_129 = tpu.vector_load_idx %arg7[%add3A_128, %get3A_101] : memref<8x2048xf32, #tpu.memory_space<vmem>>[vector<16xi32>, vector<16xi32>], vector<16xf32>,
      %broadcast_in_dim3A_130 = arith.constant 0 : i32
      %broadcast_in_dim3A_131 = vector.broadcast %broadcast_in_dim3A_130 : i32 to vector<16xi32>
      %add3A_132 = arith.constant 5 : i32
      %add3A_133 = vector.broadcast %add3A_132 : i32 to vector<16xi32>
      %add3A_134 = arith.addi %broadcast_in_dim3A_131, %add3A_133 : vector<16xi32>
      %gather3A_135 = tpu.vector_load_idx %arg7[%add3A_134, %get3A_101] : memref<8x2048xf32, #tpu.memory_space<vmem>>[vector<16xi32>, vector<16xi32>], vector<16xf32>,
      %broadcast_in_dim3A_136 = arith.constant 0 : i32
      %broadcast_in_dim3A_137 = vector.broadcast %broadcast_in_dim3A_136 : i32 to vector<16xi32>
      %add3A_138 = arith.constant 6 : i32
      %add3A_139 = vector.broadcast %add3A_138 : i32 to vector<16xi32>
      %add3A_140 = arith.addi %broadcast_in_dim3A_137, %add3A_139 : vector<16xi32>
      %gather3A_141 = tpu.vector_load_idx %arg7[%add3A_140, %get3A_101] : memref<8x2048xf32, #tpu.memory_space<vmem>>[vector<16xi32>, vector<16xi32>], vector<16xf32>,
      %broadcast_in_dim3A_142 = arith.constant 0 : i32
      %broadcast_in_dim3A_143 = vector.broadcast %broadcast_in_dim3A_142 : i32 to vector<16xi32>
      %add3A_144 = arith.constant 7 : i32
      %add3A_145 = vector.broadcast %add3A_144 : i32 to vector<16xi32>
      %add3A_146 = arith.addi %broadcast_in_dim3A_143, %add3A_145 : vector<16xi32>
      %gather3A_147 = tpu.vector_load_idx %arg7[%add3A_146, %get3A_101] : memref<8x2048xf32, #tpu.memory_space<vmem>>[vector<16xi32>, vector<16xi32>], vector<16xf32>,
      %swap3A = arith.constant 0 : i32
      %swap3A_148 = arith.index_cast %swap3A : i32 to index
      %swap3A_149 = arith.index_cast %multiple_of3A : i32 to index
      %swap3A_150 = tpu.vector_load %arg9[%swap3A_148, %swap3A_149] {strides = array<i32>} : memref<8x2048xf32, #tpu.memory_space<vmem>>, vector<16xf32>,
      tpu.vector_store %arg9[%swap3A_148, %swap3A_149], %gather3A {strides = array<i32>} : memref<8x2048xf32, #tpu.memory_space<vmem>>, vector<16xf32>,
      %swap3A_151 = arith.constant 1 : i32
      %swap3A_152 = arith.index_cast %swap3A_151 : i32 to index
      %swap3A_153 = arith.index_cast %multiple_of3A : i32 to index
      %swap3A_154 = tpu.vector_load %arg9[%swap3A_152, %swap3A_153] {strides = array<i32>} : memref<8x2048xf32, #tpu.memory_space<vmem>>, vector<16xf32>,
      tpu.vector_store %arg9[%swap3A_152, %swap3A_153], %gather3A_111 {strides = array<i32>} : memref<8x2048xf32, #tpu.memory_space<vmem>>, vector<16xf32>,
      %swap3A_155 = arith.constant 2 : i32
      %swap3A_156 = arith.index_cast %swap3A_155 : i32 to index
      %swap3A_157 = arith.index_cast %multiple_of3A : i32 to index
      %swap3A_158 = tpu.vector_load %arg9[%swap3A_156, %swap3A_157] {strides = array<i32>} : memref<8x2048xf32, #tpu.memory_space<vmem>>, vector<16xf32>,
      tpu.vector_store %arg9[%swap3A_156, %swap3A_157], %gather3A_117 {strides = array<i32>} : memref<8x2048xf32, #tpu.memory_space<vmem>>, vector<16xf32>,
      %swap3A_159 = arith.constant 3 : i32
      %swap3A_160 = arith.index_cast %swap3A_159 : i32 to index
      %swap3A_161 = arith.index_cast %multiple_of3A : i32 to index
      %swap3A_162 = tpu.vector_load %arg9[%swap3A_160, %swap3A_161] {strides = array<i32>} : memref<8x2048xf32, #tpu.memory_space<vmem>>, vector<16xf32>,
      tpu.vector_store %arg9[%swap3A_160, %swap3A_161], %gather3A_123 {strides = array<i32>} : memref<8x2048xf32, #tpu.memory_space<vmem>>, vector<16xf32>,
      %swap3A_163 = arith.constant 4 : i32
      %swap3A_164 = arith.index_cast %swap3A_163 : i32 to index
      %swap3A_165 = arith.index_cast %multiple_of3A : i32 to index
      %swap3A_166 = tpu.vector_load %arg9[%swap3A_164, %swap3A_165] {strides = array<i32>} : memref<8x2048xf32, #tpu.memory_space<vmem>>, vector<16xf32>,
      tpu.vector_store %arg9[%swap3A_164, %swap3A_165], %gather3A_129 {strides = array<i32>} : memref<8x2048xf32, #tpu.memory_space<vmem>>, vector<16xf32>,
      %swap3A_167 = arith.constant 5 : i32
      %swap3A_168 = arith.index_cast %swap3A_167 : i32 to index
      %swap3A_169 = arith.index_cast %multiple_of3A : i32 to index
      %swap3A_170 = tpu.vector_load %arg9[%swap3A_168, %swap3A_169] {strides = array<i32>} : memref<8x2048xf32, #tpu.memory_space<vmem>>, vector<16xf32>,
      tpu.vector_store %arg9[%swap3A_168, %swap3A_169], %gather3A_135 {strides = array<i32>} : memref<8x2048xf32, #tpu.memory_space<vmem>>, vector<16xf32>,
      %swap3A_171 = arith.constant 6 : i32
      %swap3A_172 = arith.index_cast %swap3A_171 : i32 to index
      %swap3A_173 = arith.index_cast %multiple_of3A : i32 to index
      %swap3A_174 = tpu.vector_load %arg9[%swap3A_172, %swap3A_173] {strides = array<i32>} : memref<8x2048xf32, #tpu.memory_space<vmem>>, vector<16xf32>,
      tpu.vector_store %arg9[%swap3A_172, %swap3A_173], %gather3A_141 {strides = array<i32>} : memref<8x2048xf32, #tpu.memory_space<vmem>>, vector<16xf32>,
      %swap3A_175 = arith.constant 7 : i32
      %swap3A_176 = arith.index_cast %swap3A_175 : i32 to index
      %swap3A_177 = arith.index_cast %multiple_of3A : i32 to index
      %swap3A_178 = tpu.vector_load %arg9[%swap3A_176, %swap3A_177] {strides = array<i32>} : memref<8x2048xf32, #tpu.memory_space<vmem>>, vector<16xf32>,
      tpu.vector_store %arg9[%swap3A_176, %swap3A_177], %gather3A_147 {strides = array<i32>} : memref<8x2048xf32, #tpu.memory_space<vmem>>, vector<16xf32>,
      %mul3A_179 = arith.constant 2 : i32
      %mul3A_180 = arith.muli %scan3A_93, %mul3A_179 : i32
      %add3A_181 = arith.constant 1 : i32
      %add3A_182 = arith.addi %mul3A_180, %add3A_181 : i32
      %mul3A_183 = arith.constant 16 : i32
      %mul3A_184 = arith.muli %add3A_182, %mul3A_183 : i32
      %multiple_of3A_185 = tpu.assume_multiple %mul3A_184, 16 : i32
      %get3A_186 = arith.index_cast %multiple_of3A_185 : i32 to index
      %get3A_187 = tpu.vector_load %arg5[%get3A_186] {strides = array<i32>} : memref<2048xi32, #tpu.memory_space<vmem>>, vector<16xi32>,
      %broadcast_in_dim3A_188 = arith.constant 0 : i32
      %broadcast_in_dim3A_189 = vector.broadcast %broadcast_in_dim3A_188 : i32 to vector<16xi32>
      %add3A_190 = arith.constant 0 : i32
      %add3A_191 = vector.broadcast %add3A_190 : i32 to vector<16xi32>
      %add3A_192 = arith.addi %broadcast_in_dim3A_189, %add3A_191 : vector<16xi32>
      %gather3A_193 = tpu.vector_load_idx %arg7[%add3A_192, %get3A_187] : memref<8x2048xf32, #tpu.memory_space<vmem>>[vector<16xi32>, vector<16xi32>], vector<16xf32>,
      %broadcast_in_dim3A_194 = arith.constant 0 : i32
      %broadcast_in_dim3A_195 = vector.broadcast %broadcast_in_dim3A_194 : i32 to vector<16xi32>
      %add3A_196 = arith.constant 1 : i32
      %add3A_197 = vector.broadcast %add3A_196 : i32 to vector<16xi32>
      %add3A_198 = arith.addi %broadcast_in_dim3A_195, %add3A_197 : vector<16xi32>
      %gather3A_199 = tpu.vector_load_idx %arg7[%add3A_198, %get3A_187] : memref<8x2048xf32, #tpu.memory_space<vmem>>[vector<16xi32>, vector<16xi32>], vector<16xf32>,
      %broadcast_in_dim3A_200 = arith.constant 0 : i32
      %broadcast_in_dim3A_201 = vector.broadcast %broadcast_in_dim3A_200 : i32 to vector<16xi32>
      %add3A_202 = arith.constant 2 : i32
      %add3A_203 = vector.broadcast %add3A_202 : i32 to vector<16xi32>
      %add3A_204 = arith.addi %broadcast_in_dim3A_201, %add3A_203 : vector<16xi32>
      %gather3A_205 = tpu.vector_load_idx %arg7[%add3A_204, %get3A_187] : memref<8x2048xf32, #tpu.memory_space<vmem>>[vector<16xi32>, vector<16xi32>], vector<16xf32>,
      %broadcast_in_dim3A_206 = arith.constant 0 : i32
      %broadcast_in_dim3A_207 = vector.broadcast %broadcast_in_dim3A_206 : i32 to vector<16xi32>
      %add3A_208 = arith.constant 3 : i32
      %add3A_209 = vector.broadcast %add3A_208 : i32 to vector<16xi32>
      %add3A_210 = arith.addi %broadcast_in_dim3A_207, %add3A_209 : vector<16xi32>
      %gather3A_211 = tpu.vector_load_idx %arg7[%add3A_210, %get3A_187] : memref<8x2048xf32, #tpu.memory_space<vmem>>[vector<16xi32>, vector<16xi32>], vector<16xf32>,
      %broadcast_in_dim3A_212 = arith.constant 0 : i32
      %broadcast_in_dim3A_213 = vector.broadcast %broadcast_in_dim3A_212 : i32 to vector<16xi32>
      %add3A_214 = arith.constant 4 : i32
      %add3A_215 = vector.broadcast %add3A_214 : i32 to vector<16xi32>
      %add3A_216 = arith.addi %broadcast_in_dim3A_213, %add3A_215 : vector<16xi32>
      %gather3A_217 = tpu.vector_load_idx %arg7[%add3A_216, %get3A_187] : memref<8x2048xf32, #tpu.memory_space<vmem>>[vector<16xi32>, vector<16xi32>], vector<16xf32>,
      %broadcast_in_dim3A_218 = arith.constant 0 : i32
      %broadcast_in_dim3A_219 = vector.broadcast %broadcast_in_dim3A_218 : i32 to vector<16xi32>
      %add3A_220 = arith.constant 5 : i32
      %add3A_221 = vector.broadcast %add3A_220 : i32 to vector<16xi32>
      %add3A_222 = arith.addi %broadcast_in_dim3A_219, %add3A_221 : vector<16xi32>
      %gather3A_223 = tpu.vector_load_idx %arg7[%add3A_222, %get3A_187] : memref<8x2048xf32, #tpu.memory_space<vmem>>[vector<16xi32>, vector<16xi32>], vector<16xf32>,
      %broadcast_in_dim3A_224 = arith.constant 0 : i32
      %broadcast_in_dim3A_225 = vector.broadcast %broadcast_in_dim3A_224 : i32 to vector<16xi32>
      %add3A_226 = arith.constant 6 : i32
      %add3A_227 = vector.broadcast %add3A_226 : i32 to vector<16xi32>
      %add3A_228 = arith.addi %broadcast_in_dim3A_225, %add3A_227 : vector<16xi32>
      %gather3A_229 = tpu.vector_load_idx %arg7[%add3A_228, %get3A_187] : memref<8x2048xf32, #tpu.memory_space<vmem>>[vector<16xi32>, vector<16xi32>], vector<16xf32>,
      %broadcast_in_dim3A_230 = arith.constant 0 : i32
      %broadcast_in_dim3A_231 = vector.broadcast %broadcast_in_dim3A_230 : i32 to vector<16xi32>
      %add3A_232 = arith.constant 7 : i32
      %add3A_233 = vector.broadcast %add3A_232 : i32 to vector<16xi32>
      %add3A_234 = arith.addi %broadcast_in_dim3A_231, %add3A_233 : vector<16xi32>
      %gather3A_235 = tpu.vector_load_idx %arg7[%add3A_234, %get3A_187] : memref<8x2048xf32, #tpu.memory_space<vmem>>[vector<16xi32>, vector<16xi32>], vector<16xf32>,
      %swap3A_236 = arith.constant 0 : i32
      %swap3A_237 = arith.index_cast %swap3A_236 : i32 to index
      %swap3A_238 = arith.index_cast %multiple_of3A_185 : i32 to index
      %swap3A_239 = tpu.vector_load %arg9[%swap3A_237, %swap3A_238] {strides = array<i32>} : memref<8x2048xf32, #tpu.memory_space<vmem>>, vector<16xf32>,
      tpu.vector_store %arg9[%swap3A_237, %swap3A_238], %gather3A_193 {strides = array<i32>} : memref<8x2048xf32, #tpu.memory_space<vmem>>, vector<16xf32>,
      %swap3A_240 = arith.constant 1 : i32
      %swap3A_241 = arith.index_cast %swap3A_240 : i32 to index
      %swap3A_242 = arith.index_cast %multiple_of3A_185 : i32 to index
      %swap3A_243 = tpu.vector_load %arg9[%swap3A_241, %swap3A_242] {strides = array<i32>} : memref<8x2048xf32, #tpu.memory_space<vmem>>, vector<16xf32>,
      tpu.vector_store %arg9[%swap3A_241, %swap3A_242], %gather3A_199 {strides = array<i32>} : memref<8x2048xf32, #tpu.memory_space<vmem>>, vector<16xf32>,
      %swap3A_244 = arith.constant 2 : i32
      %swap3A_245 = arith.index_cast %swap3A_244 : i32 to index
      %swap3A_246 = arith.index_cast %multiple_of3A_185 : i32 to index
      %swap3A_247 = tpu.vector_load %arg9[%swap3A_245, %swap3A_246] {strides = array<i32>} : memref<8x2048xf32, #tpu.memory_space<vmem>>, vector<16xf32>,
      tpu.vector_store %arg9[%swap3A_245, %swap3A_246], %gather3A_205 {strides = array<i32>} : memref<8x2048xf32, #tpu.memory_space<vmem>>, vector<16xf32>,
      %swap3A_248 = arith.constant 3 : i32
      %swap3A_249 = arith.index_cast %swap3A_248 : i32 to index
      %swap3A_250 = arith.index_cast %multiple_of3A_185 : i32 to index
      %swap3A_251 = tpu.vector_load %arg9[%swap3A_249, %swap3A_250] {strides = array<i32>} : memref<8x2048xf32, #tpu.memory_space<vmem>>, vector<16xf32>,
      tpu.vector_store %arg9[%swap3A_249, %swap3A_250], %gather3A_211 {strides = array<i32>} : memref<8x2048xf32, #tpu.memory_space<vmem>>, vector<16xf32>,
      %swap3A_252 = arith.constant 4 : i32
      %swap3A_253 = arith.index_cast %swap3A_252 : i32 to index
      %swap3A_254 = arith.index_cast %multiple_of3A_185 : i32 to index
      %swap3A_255 = tpu.vector_load %arg9[%swap3A_253, %swap3A_254] {strides = array<i32>} : memref<8x2048xf32, #tpu.memory_space<vmem>>, vector<16xf32>,
      tpu.vector_store %arg9[%swap3A_253, %swap3A_254], %gather3A_217 {strides = array<i32>} : memref<8x2048xf32, #tpu.memory_space<vmem>>, vector<16xf32>,
      %swap3A_256 = arith.constant 5 : i32
      %swap3A_257 = arith.index_cast %swap3A_256 : i32 to index
      %swap3A_258 = arith.index_cast %multiple_of3A_185 : i32 to index
      %swap3A_259 = tpu.vector_load %arg9[%swap3A_257, %swap3A_258] {strides = array<i32>} : memref<8x2048xf32, #tpu.memory_space<vmem>>, vector<16xf32>,
      tpu.vector_store %arg9[%swap3A_257, %swap3A_258], %gather3A_223 {strides = array<i32>} : memref<8x2048xf32, #tpu.memory_space<vmem>>, vector<16xf32>,
      %swap3A_260 = arith.constant 6 : i32
      %swap3A_261 = arith.index_cast %swap3A_260 : i32 to index
      %swap3A_262 = arith.index_cast %multiple_of3A_185 : i32 to index
      %swap3A_263 = tpu.vector_load %arg9[%swap3A_261, %swap3A_262] {strides = array<i32>} : memref<8x2048xf32, #tpu.memory_space<vmem>>, vector<16xf32>,
      tpu.vector_store %arg9[%swap3A_261, %swap3A_262], %gather3A_229 {strides = array<i32>} : memref<8x2048xf32, #tpu.memory_space<vmem>>, vector<16xf32>,
      %swap3A_264 = arith.constant 7 : i32
      %swap3A_265 = arith.index_cast %swap3A_264 : i32 to index
      %swap3A_266 = arith.index_cast %multiple_of3A_185 : i32 to index
      %swap3A_267 = tpu.vector_load %arg9[%swap3A_265, %swap3A_266] {strides = array<i32>} : memref<8x2048xf32, #tpu.memory_space<vmem>>, vector<16xf32>,
      tpu.vector_store %arg9[%swap3A_265, %swap3A_266], %gather3A_235 {strides = array<i32>} : memref<8x2048xf32, #tpu.memory_space<vmem>>, vector<16xf32>,
      %scan3A_268 = arith.constant 0 : i32
      scf.yield %scan3A_268 : i32
    }
    %scan3A_49 = arith.constant 64 : i32
    %add3A_50 = arith.constant 8 : i32
    %add3A_51 = arith.addi %mul3A_2, %add3A_50 : i32
    %dma_start3A_52 = arith.constant 0 : i32
    %dma_start3A_53 = tpu.memref_slice %arg4[%add3A_51, %dma_start3A_52] : memref<8192x2048xf32, #tpu.memory_space<hbm>> -> memref<8x2048xf32, #tpu.memory_space<hbm>>
    %dma_start3A_54 = arith.constant 0 : i32
    %dma_start3A_55 = tpu.memref_slice %arg4[%add3A_51, %dma_start3A_54] : memref<8192x2048xf32, #tpu.memory_space<hbm>> -> memref<8x2048xf32, #tpu.memory_space<hbm>>
    tpu.enqueue_dma source(%arg9 : memref<8x2048xf32, #tpu.memory_space<vmem>>) target(%dma_start3A_55 : memref<8x2048xf32, #tpu.memory_space<hbm>>) target_semaphore(%arg13 : memref<!tpu.dma_semaphore, #tpu.memory_space<semaphore_mem>>)
    %add3A_56 = arith.constant 24 : i32
    %add3A_57 = arith.addi %mul3A_2, %add3A_56 : i32
    %dma_start3A_58 = arith.constant 0 : i32
    %dma_start3A_59 = tpu.memref_slice %arg2[%add3A_57, %dma_start3A_58] : memref<8192x2048xf32, #tpu.memory_space<hbm>> -> memref<8x2048xf32, #tpu.memory_space<hbm>>
    %dma_start3A_60 = arith.constant 0 : i32
    %dma_start3A_61 = tpu.memref_slice %arg2[%add3A_57, %dma_start3A_60] : memref<8192x2048xf32, #tpu.memory_space<hbm>> -> memref<8x2048xf32, #tpu.memory_space<hbm>>
    tpu.enqueue_dma source(%dma_start3A_61 : memref<8x2048xf32, #tpu.memory_space<hbm>>) target(%arg7 : memref<8x2048xf32, #tpu.memory_space<vmem>>) target_semaphore(%arg11 : memref<!tpu.dma_semaphore, #tpu.memory_space<semaphore_mem>>)
    %scan3A_62 = arith.constant 0 : i32
    %scan3A_63 = arith.constant 1 : i32
    %scan3A_64 = arith.constant 15 : i32
    %scan3A_65 = arith.addi %scan3A_63, %scan3A_64 : i32
    %scan3A_66 = arith.constant 1 : i32
    %scan3A_67 = scf.for %scan3A_93 = %scan3A_63 to %scan3A_65 step %scan3A_66 iter_args(%scan3A_94 = %scan3A_62) -> (i32)  : i32 {
      %mul3A_95 = arith.constant 2 : i32
      %mul3A_96 = arith.muli %mul3A_95, %scan3A_93 : i32
      %add3A_97 = arith.constant 1 : i32
      %add3A_98 = arith.addi %mul3A_96, %add3A_97 : i32
      %mul3A_99 = arith.constant 8 : i32
      %mul3A_100 = arith.muli %mul3A_96, %mul3A_99 : i32
      %add3A_101 = arith.addi %mul3A_2, %mul3A_100 : i32
      %dma_wait3A_102 = arith.constant 0 : i32
      %dma_wait3A_103 = tpu.memref_slice %arg2[%add3A_101, %dma_wait3A_102] : memref<8192x2048xf32, #tpu.memory_space<hbm>> -> memref<8x2048xf32, #tpu.memory_space<hbm>>
      %dma_wait3A_104 = arith.constant 0 : i32
      %dma_wait3A_105 = tpu.memref_slice %arg2[%add3A_101, %dma_wait3A_104] : memref<8192x2048xf32, #tpu.memory_space<hbm>> -> memref<8x2048xf32, #tpu.memory_space<hbm>>
      tpu.wait_dma2 semaphore(%arg10 : memref<!tpu.dma_semaphore, #tpu.memory_space<semaphore_mem>>) src(%dma_wait3A_105 : memref<8x2048xf32, #tpu.memory_space<hbm>>) dst(%arg6 : memref<8x2048xf32, #tpu.memory_space<vmem>>)
      %mul3A_106 = arith.constant 8 : i32
      %mul3A_107 = arith.muli %mul3A_96, %mul3A_106 : i32
      %add3A_108 = arith.addi %mul3A_2, %mul3A_107 : i32
      %dma_wait3A_109 = arith.constant 0 : i32
      %dma_wait3A_110 = tpu.memref_slice %arg4[%add3A_108, %dma_wait3A_109] : memref<8192x2048xf32, #tpu.memory_space<hbm>> -> memref<8x2048xf32, #tpu.memory_space<hbm>>
      %dma_wait3A_111 = arith.constant 0 : i32
      %dma_wait3A_112 = tpu.memref_slice %arg4[%add3A_108, %dma_wait3A_111] : memref<8192x2048xf32, #tpu.memory_space<hbm>> -> memref<8x2048xf32, #tpu.memory_space<hbm>>
      tpu.wait_dma2 semaphore(%arg12 : memref<!tpu.dma_semaphore, #tpu.memory_space<semaphore_mem>>) src(%arg8 : memref<8x2048xf32, #tpu.memory_space<vmem>>) dst(%dma_wait3A_112 : memref<8x2048xf32, #tpu.memory_space<hbm>>)
      %scan3A_113 = arith.constant 0 : i32
      %scan3A_114 = arith.constant 0 : i32
      %scan3A_115 = arith.constant 64 : i32
      %scan3A_116 = arith.addi %scan3A_114, %scan3A_115 : i32
      %scan3A_117 = arith.constant 1 : i32
      %scan3A_118 = scf.for %scan3A_177 = %scan3A_114 to %scan3A_116 step %scan3A_117 iter_args(%scan3A_178 = %scan3A_113) -> (i32)  : i32 {
        %mul3A_179 = arith.constant 2 : i32
        %mul3A_180 = arith.muli %scan3A_177, %mul3A_179 : i32
        %add3A_181 = arith.constant 0 : i32
        %add3A_182 = arith.addi %mul3A_180, %add3A_181 : i32
        %mul3A_183 = arith.constant 16 : i32
        %mul3A_184 = arith.muli %add3A_182, %mul3A_183 : i32
        %multiple_of3A = tpu.assume_multiple %mul3A_184, 16 : i32
        %get3A = arith.index_cast %multiple_of3A : i32 to index
        %get3A_185 = tpu.vector_load %arg5[%get3A] {strides = array<i32>} : memref<2048xi32, #tpu.memory_space<vmem>>, vector<16xi32>,
        %broadcast_in_dim3A = arith.constant 0 : i32
        %broadcast_in_dim3A_186 = vector.broadcast %broadcast_in_dim3A : i32 to vector<16xi32>
        %add3A_187 = arith.constant 0 : i32
        %add3A_188 = vector.broadcast %add3A_187 : i32 to vector<16xi32>
        %add3A_189 = arith.addi %broadcast_in_dim3A_186, %add3A_188 : vector<16xi32>
        %gather3A = tpu.vector_load_idx %arg6[%add3A_189, %get3A_185] : memref<8x2048xf32, #tpu.memory_space<vmem>>[vector<16xi32>, vector<16xi32>], vector<16xf32>,
        %broadcast_in_dim3A_190 = arith.constant 0 : i32
        %broadcast_in_dim3A_191 = vector.broadcast %broadcast_in_dim3A_190 : i32 to vector<16xi32>
        %add3A_192 = arith.constant 1 : i32
        %add3A_193 = vector.broadcast %add3A_192 : i32 to vector<16xi32>
        %add3A_194 = arith.addi %broadcast_in_dim3A_191, %add3A_193 : vector<16xi32>
        %gather3A_195 = tpu.vector_load_idx %arg6[%add3A_194, %get3A_185] : memref<8x2048xf32, #tpu.memory_space<vmem>>[vector<16xi32>, vector<16xi32>], vector<16xf32>,
        %broadcast_in_dim3A_196 = arith.constant 0 : i32
        %broadcast_in_dim3A_197 = vector.broadcast %broadcast_in_dim3A_196 : i32 to vector<16xi32>
        %add3A_198 = arith.constant 2 : i32
        %add3A_199 = vector.broadcast %add3A_198 : i32 to vector<16xi32>
        %add3A_200 = arith.addi %broadcast_in_dim3A_197, %add3A_199 : vector<16xi32>
        %gather3A_201 = tpu.vector_load_idx %arg6[%add3A_200, %get3A_185] : memref<8x2048xf32, #tpu.memory_space<vmem>>[vector<16xi32>, vector<16xi32>], vector<16xf32>,
        %broadcast_in_dim3A_202 = arith.constant 0 : i32
        %broadcast_in_dim3A_203 = vector.broadcast %broadcast_in_dim3A_202 : i32 to vector<16xi32>
        %add3A_204 = arith.constant 3 : i32
        %add3A_205 = vector.broadcast %add3A_204 : i32 to vector<16xi32>
        %add3A_206 = arith.addi %broadcast_in_dim3A_203, %add3A_205 : vector<16xi32>
        %gather3A_207 = tpu.vector_load_idx %arg6[%add3A_206, %get3A_185] : memref<8x2048xf32, #tpu.memory_space<vmem>>[vector<16xi32>, vector<16xi32>], vector<16xf32>,
        %broadcast_in_dim3A_208 = arith.constant 0 : i32
        %broadcast_in_dim3A_209 = vector.broadcast %broadcast_in_dim3A_208 : i32 to vector<16xi32>
        %add3A_210 = arith.constant 4 : i32
        %add3A_211 = vector.broadcast %add3A_210 : i32 to vector<16xi32>
        %add3A_212 = arith.addi %broadcast_in_dim3A_209, %add3A_211 : vector<16xi32>
        %gather3A_213 = tpu.vector_load_idx %arg6[%add3A_212, %get3A_185] : memref<8x2048xf32, #tpu.memory_space<vmem>>[vector<16xi32>, vector<16xi32>], vector<16xf32>,
        %broadcast_in_dim3A_214 = arith.constant 0 : i32
        %broadcast_in_dim3A_215 = vector.broadcast %broadcast_in_dim3A_214 : i32 to vector<16xi32>
        %add3A_216 = arith.constant 5 : i32
        %add3A_217 = vector.broadcast %add3A_216 : i32 to vector<16xi32>
        %add3A_218 = arith.addi %broadcast_in_dim3A_215, %add3A_217 : vector<16xi32>
        %gather3A_219 = tpu.vector_load_idx %arg6[%add3A_218, %get3A_185] : memref<8x2048xf32, #tpu.memory_space<vmem>>[vector<16xi32>, vector<16xi32>], vector<16xf32>,
        %broadcast_in_dim3A_220 = arith.constant 0 : i32
        %broadcast_in_dim3A_221 = vector.broadcast %broadcast_in_dim3A_220 : i32 to vector<16xi32>
        %add3A_222 = arith.constant 6 : i32
        %add3A_223 = vector.broadcast %add3A_222 : i32 to vector<16xi32>
        %add3A_224 = arith.addi %broadcast_in_dim3A_221, %add3A_223 : vector<16xi32>
        %gather3A_225 = tpu.vector_load_idx %arg6[%add3A_224, %get3A_185] : memref<8x2048xf32, #tpu.memory_space<vmem>>[vector<16xi32>, vector<16xi32>], vector<16xf32>,
        %broadcast_in_dim3A_226 = arith.constant 0 : i32
        %broadcast_in_dim3A_227 = vector.broadcast %broadcast_in_dim3A_226 : i32 to vector<16xi32>
        %add3A_228 = arith.constant 7 : i32
        %add3A_229 = vector.broadcast %add3A_228 : i32 to vector<16xi32>
        %add3A_230 = arith.addi %broadcast_in_dim3A_227, %add3A_229 : vector<16xi32>
        %gather3A_231 = tpu.vector_load_idx %arg6[%add3A_230, %get3A_185] : memref<8x2048xf32, #tpu.memory_space<vmem>>[vector<16xi32>, vector<16xi32>], vector<16xf32>,
        %swap3A = arith.constant 0 : i32
        %swap3A_232 = arith.index_cast %swap3A : i32 to index
        %swap3A_233 = arith.index_cast %multiple_of3A : i32 to index
        %swap3A_234 = tpu.vector_load %arg8[%swap3A_232, %swap3A_233] {strides = array<i32>} : memref<8x2048xf32, #tpu.memory_space<vmem>>, vector<16xf32>,
        tpu.vector_store %arg8[%swap3A_232, %swap3A_233], %gather3A {strides = array<i32>} : memref<8x2048xf32, #tpu.memory_space<vmem>>, vector<16xf32>,
        %swap3A_235 = arith.constant 1 : i32
        %swap3A_236 = arith.index_cast %swap3A_235 : i32 to index
        %swap3A_237 = arith.index_cast %multiple_of3A : i32 to index
        %swap3A_238 = tpu.vector_load %arg8[%swap3A_236, %swap3A_237] {strides = array<i32>} : memref<8x2048xf32, #tpu.memory_space<vmem>>, vector<16xf32>,
        tpu.vector_store %arg8[%swap3A_236, %swap3A_237], %gather3A_195 {strides = array<i32>} : memref<8x2048xf32, #tpu.memory_space<vmem>>, vector<16xf32>,
        %swap3A_239 = arith.constant 2 : i32
        %swap3A_240 = arith.index_cast %swap3A_239 : i32 to index
        %swap3A_241 = arith.index_cast %multiple_of3A : i32 to index
        %swap3A_242 = tpu.vector_load %arg8[%swap3A_240, %swap3A_241] {strides = array<i32>} : memref<8x2048xf32, #tpu.memory_space<vmem>>, vector<16xf32>,
        tpu.vector_store %arg8[%swap3A_240, %swap3A_241], %gather3A_201 {strides = array<i32>} : memref<8x2048xf32, #tpu.memory_space<vmem>>, vector<16xf32>,
        %swap3A_243 = arith.constant 3 : i32
        %swap3A_244 = arith.index_cast %swap3A_243 : i32 to index
        %swap3A_245 = arith.index_cast %multiple_of3A : i32 to index
        %swap3A_246 = tpu.vector_load %arg8[%swap3A_244, %swap3A_245] {strides = array<i32>} : memref<8x2048xf32, #tpu.memory_space<vmem>>, vector<16xf32>,
        tpu.vector_store %arg8[%swap3A_244, %swap3A_245], %gather3A_207 {strides = array<i32>} : memref<8x2048xf32, #tpu.memory_space<vmem>>, vector<16xf32>,
        %swap3A_247 = arith.constant 4 : i32
        %swap3A_248 = arith.index_cast %swap3A_247 : i32 to index
        %swap3A_249 = arith.index_cast %multiple_of3A : i32 to index
        %swap3A_250 = tpu.vector_load %arg8[%swap3A_248, %swap3A_249] {strides = array<i32>} : memref<8x2048xf32, #tpu.memory_space<vmem>>, vector<16xf32>,
        tpu.vector_store %arg8[%swap3A_248, %swap3A_249], %gather3A_213 {strides = array<i32>} : memref<8x2048xf32, #tpu.memory_space<vmem>>, vector<16xf32>,
        %swap3A_251 = arith.constant 5 : i32
        %swap3A_252 = arith.index_cast %swap3A_251 : i32 to index
        %swap3A_253 = arith.index_cast %multiple_of3A : i32 to index
        %swap3A_254 = tpu.vector_load %arg8[%swap3A_252, %swap3A_253] {strides = array<i32>} : memref<8x2048xf32, #tpu.memory_space<vmem>>, vector<16xf32>,
        tpu.vector_store %arg8[%swap3A_252, %swap3A_253], %gather3A_219 {strides = array<i32>} : memref<8x2048xf32, #tpu.memory_space<vmem>>, vector<16xf32>,
        %swap3A_255 = arith.constant 6 : i32
        %swap3A_256 = arith.index_cast %swap3A_255 : i32 to index
        %swap3A_257 = arith.index_cast %multiple_of3A : i32 to index
        %swap3A_258 = tpu.vector_load %arg8[%swap3A_256, %swap3A_257] {strides = array<i32>} : memref<8x2048xf32, #tpu.memory_space<vmem>>, vector<16xf32>,
        tpu.vector_store %arg8[%swap3A_256, %swap3A_257], %gather3A_225 {strides = array<i32>} : memref<8x2048xf32, #tpu.memory_space<vmem>>, vector<16xf32>,
        %swap3A_259 = arith.constant 7 : i32
        %swap3A_260 = arith.index_cast %swap3A_259 : i32 to index
        %swap3A_261 = arith.index_cast %multiple_of3A : i32 to index
        %swap3A_262 = tpu.vector_load %arg8[%swap3A_260, %swap3A_261] {strides = array<i32>} : memref<8x2048xf32, #tpu.memory_space<vmem>>, vector<16xf32>,
        tpu.vector_store %arg8[%swap3A_260, %swap3A_261], %gather3A_231 {strides = array<i32>} : memref<8x2048xf32, #tpu.memory_space<vmem>>, vector<16xf32>,
        %mul3A_263 = arith.constant 2 : i32
        %mul3A_264 = arith.muli %scan3A_177, %mul3A_263 : i32
        %add3A_265 = arith.constant 1 : i32
        %add3A_266 = arith.addi %mul3A_264, %add3A_265 : i32
        %mul3A_267 = arith.constant 16 : i32
        %mul3A_268 = arith.muli %add3A_266, %mul3A_267 : i32
        %multiple_of3A_269 = tpu.assume_multiple %mul3A_268, 16 : i32
        %get3A_270 = arith.index_cast %multiple_of3A_269 : i32 to index
        %get3A_271 = tpu.vector_load %arg5[%get3A_270] {strides = array<i32>} : memref<2048xi32, #tpu.memory_space<vmem>>, vector<16xi32>,
        %broadcast_in_dim3A_272 = arith.constant 0 : i32
        %broadcast_in_dim3A_273 = vector.broadcast %broadcast_in_dim3A_272 : i32 to vector<16xi32>
        %add3A_274 = arith.constant 0 : i32
        %add3A_275 = vector.broadcast %add3A_274 : i32 to vector<16xi32>
        %add3A_276 = arith.addi %broadcast_in_dim3A_273, %add3A_275 : vector<16xi32>
        %gather3A_277 = tpu.vector_load_idx %arg6[%add3A_276, %get3A_271] : memref<8x2048xf32, #tpu.memory_space<vmem>>[vector<16xi32>, vector<16xi32>], vector<16xf32>,
        %broadcast_in_dim3A_278 = arith.constant 0 : i32
        %broadcast_in_dim3A_279 = vector.broadcast %broadcast_in_dim3A_278 : i32 to vector<16xi32>
        %add3A_280 = arith.constant 1 : i32
        %add3A_281 = vector.broadcast %add3A_280 : i32 to vector<16xi32>
        %add3A_282 = arith.addi %broadcast_in_dim3A_279, %add3A_281 : vector<16xi32>
        %gather3A_283 = tpu.vector_load_idx %arg6[%add3A_282, %get3A_271] : memref<8x2048xf32, #tpu.memory_space<vmem>>[vector<16xi32>, vector<16xi32>], vector<16xf32>,
        %broadcast_in_dim3A_284 = arith.constant 0 : i32
        %broadcast_in_dim3A_285 = vector.broadcast %broadcast_in_dim3A_284 : i32 to vector<16xi32>
        %add3A_286 = arith.constant 2 : i32
        %add3A_287 = vector.broadcast %add3A_286 : i32 to vector<16xi32>
        %add3A_288 = arith.addi %broadcast_in_dim3A_285, %add3A_287 : vector<16xi32>
        %gather3A_289 = tpu.vector_load_idx %arg6[%add3A_288, %get3A_271] : memref<8x2048xf32, #tpu.memory_space<vmem>>[vector<16xi32>, vector<16xi32>], vector<16xf32>,
        %broadcast_in_dim3A_290 = arith.constant 0 : i32
        %broadcast_in_dim3A_291 = vector.broadcast %broadcast_in_dim3A_290 : i32 to vector<16xi32>
        %add3A_292 = arith.constant 3 : i32
        %add3A_293 = vector.broadcast %add3A_292 : i32 to vector<16xi32>
        %add3A_294 = arith.addi %broadcast_in_dim3A_291, %add3A_293 : vector<16xi32>
        %gather3A_295 = tpu.vector_load_idx %arg6[%add3A_294, %get3A_271] : memref<8x2048xf32, #tpu.memory_space<vmem>>[vector<16xi32>, vector<16xi32>], vector<16xf32>,
        %broadcast_in_dim3A_296 = arith.constant 0 : i32
        %broadcast_in_dim3A_297 = vector.broadcast %broadcast_in_dim3A_296 : i32 to vector<16xi32>
        %add3A_298 = arith.constant 4 : i32
        %add3A_299 = vector.broadcast %add3A_298 : i32 to vector<16xi32>
        %add3A_300 = arith.addi %broadcast_in_dim3A_297, %add3A_299 : vector<16xi32>
        %gather3A_301 = tpu.vector_load_idx %arg6[%add3A_300, %get3A_271] : memref<8x2048xf32, #tpu.memory_space<vmem>>[vector<16xi32>, vector<16xi32>], vector<16xf32>,
        %broadcast_in_dim3A_302 = arith.constant 0 : i32
        %broadcast_in_dim3A_303 = vector.broadcast %broadcast_in_dim3A_302 : i32 to vector<16xi32>
        %add3A_304 = arith.constant 5 : i32
        %add3A_305 = vector.broadcast %add3A_304 : i32 to vector<16xi32>
        %add3A_306 = arith.addi %broadcast_in_dim3A_303, %add3A_305 : vector<16xi32>
        %gather3A_307 = tpu.vector_load_idx %arg6[%add3A_306, %get3A_271] : memref<8x2048xf32, #tpu.memory_space<vmem>>[vector<16xi32>, vector<16xi32>], vector<16xf32>,
        %broadcast_in_dim3A_308 = arith.constant 0 : i32
        %broadcast_in_dim3A_309 = vector.broadcast %broadcast_in_dim3A_308 : i32 to vector<16xi32>
        %add3A_310 = arith.constant 6 : i32
        %add3A_311 = vector.broadcast %add3A_310 : i32 to vector<16xi32>
        %add3A_312 = arith.addi %broadcast_in_dim3A_309, %add3A_311 : vector<16xi32>
        %gather3A_313 = tpu.vector_load_idx %arg6[%add3A_312, %get3A_271] : memref<8x2048xf32, #tpu.memory_space<vmem>>[vector<16xi32>, vector<16xi32>], vector<16xf32>,
        %broadcast_in_dim3A_314 = arith.constant 0 : i32
        %broadcast_in_dim3A_315 = vector.broadcast %broadcast_in_dim3A_314 : i32 to vector<16xi32>
        %add3A_316 = arith.constant 7 : i32
        %add3A_317 = vector.broadcast %add3A_316 : i32 to vector<16xi32>
        %add3A_318 = arith.addi %broadcast_in_dim3A_315, %add3A_317 : vector<16xi32>
        %gather3A_319 = tpu.vector_load_idx %arg6[%add3A_318, %get3A_271] : memref<8x2048xf32, #tpu.memory_space<vmem>>[vector<16xi32>, vector<16xi32>], vector<16xf32>,
        %swap3A_320 = arith.constant 0 : i32
        %swap3A_321 = arith.index_cast %swap3A_320 : i32 to index
        %swap3A_322 = arith.index_cast %multiple_of3A_269 : i32 to index
        %swap3A_323 = tpu.vector_load %arg8[%swap3A_321, %swap3A_322] {strides = array<i32>} : memref<8x2048xf32, #tpu.memory_space<vmem>>, vector<16xf32>,
        tpu.vector_store %arg8[%swap3A_321, %swap3A_322], %gather3A_277 {strides = array<i32>} : memref<8x2048xf32, #tpu.memory_space<vmem>>, vector<16xf32>,
        %swap3A_324 = arith.constant 1 : i32
        %swap3A_325 = arith.index_cast %swap3A_324 : i32 to index
        %swap3A_326 = arith.index_cast %multiple_of3A_269 : i32 to index
        %swap3A_327 = tpu.vector_load %arg8[%swap3A_325, %swap3A_326] {strides = array<i32>} : memref<8x2048xf32, #tpu.memory_space<vmem>>, vector<16xf32>,
        tpu.vector_store %arg8[%swap3A_325, %swap3A_326], %gather3A_283 {strides = array<i32>} : memref<8x2048xf32, #tpu.memory_space<vmem>>, vector<16xf32>,
        %swap3A_328 = arith.constant 2 : i32
        %swap3A_329 = arith.index_cast %swap3A_328 : i32 to index
        %swap3A_330 = arith.index_cast %multiple_of3A_269 : i32 to index
        %swap3A_331 = tpu.vector_load %arg8[%swap3A_329, %swap3A_330] {strides = array<i32>} : memref<8x2048xf32, #tpu.memory_space<vmem>>, vector<16xf32>,
        tpu.vector_store %arg8[%swap3A_329, %swap3A_330], %gather3A_289 {strides = array<i32>} : memref<8x2048xf32, #tpu.memory_space<vmem>>, vector<16xf32>,
        %swap3A_332 = arith.constant 3 : i32
        %swap3A_333 = arith.index_cast %swap3A_332 : i32 to index
        %swap3A_334 = arith.index_cast %multiple_of3A_269 : i32 to index
        %swap3A_335 = tpu.vector_load %arg8[%swap3A_333, %swap3A_334] {strides = array<i32>} : memref<8x2048xf32, #tpu.memory_space<vmem>>, vector<16xf32>,
        tpu.vector_store %arg8[%swap3A_333, %swap3A_334], %gather3A_295 {strides = array<i32>} : memref<8x2048xf32, #tpu.memory_space<vmem>>, vector<16xf32>,
        %swap3A_336 = arith.constant 4 : i32
        %swap3A_337 = arith.index_cast %swap3A_336 : i32 to index
        %swap3A_338 = arith.index_cast %multiple_of3A_269 : i32 to index
        %swap3A_339 = tpu.vector_load %arg8[%swap3A_337, %swap3A_338] {strides = array<i32>} : memref<8x2048xf32, #tpu.memory_space<vmem>>, vector<16xf32>,
        tpu.vector_store %arg8[%swap3A_337, %swap3A_338], %gather3A_301 {strides = array<i32>} : memref<8x2048xf32, #tpu.memory_space<vmem>>, vector<16xf32>,
        %swap3A_340 = arith.constant 5 : i32
        %swap3A_341 = arith.index_cast %swap3A_340 : i32 to index
        %swap3A_342 = arith.index_cast %multiple_of3A_269 : i32 to index
        %swap3A_343 = tpu.vector_load %arg8[%swap3A_341, %swap3A_342] {strides = array<i32>} : memref<8x2048xf32, #tpu.memory_space<vmem>>, vector<16xf32>,
        tpu.vector_store %arg8[%swap3A_341, %swap3A_342], %gather3A_307 {strides = array<i32>} : memref<8x2048xf32, #tpu.memory_space<vmem>>, vector<16xf32>,
        %swap3A_344 = arith.constant 6 : i32
        %swap3A_345 = arith.index_cast %swap3A_344 : i32 to index
        %swap3A_346 = arith.index_cast %multiple_of3A_269 : i32 to index
        %swap3A_347 = tpu.vector_load %arg8[%swap3A_345, %swap3A_346] {strides = array<i32>} : memref<8x2048xf32, #tpu.memory_space<vmem>>, vector<16xf32>,
        tpu.vector_store %arg8[%swap3A_345, %swap3A_346], %gather3A_313 {strides = array<i32>} : memref<8x2048xf32, #tpu.memory_space<vmem>>, vector<16xf32>,
        %swap3A_348 = arith.constant 7 : i32
        %swap3A_349 = arith.index_cast %swap3A_348 : i32 to index
        %swap3A_350 = arith.index_cast %multiple_of3A_269 : i32 to index
        %swap3A_351 = tpu.vector_load %arg8[%swap3A_349, %swap3A_350] {strides = array<i32>} : memref<8x2048xf32, #tpu.memory_space<vmem>>, vector<16xf32>,
        tpu.vector_store %arg8[%swap3A_349, %swap3A_350], %gather3A_319 {strides = array<i32>} : memref<8x2048xf32, #tpu.memory_space<vmem>>, vector<16xf32>,
        %scan3A_352 = arith.constant 0 : i32
        scf.yield %scan3A_352 : i32
      }
      %scan3A_119 = arith.constant 64 : i32
      %mul3A_120 = arith.constant 8 : i32
      %mul3A_121 = arith.muli %mul3A_96, %mul3A_120 : i32
      %add3A_122 = arith.addi %mul3A_2, %mul3A_121 : i32
      %dma_start3A_123 = arith.constant 0 : i32
      %dma_start3A_124 = tpu.memref_slice %arg4[%add3A_122, %dma_start3A_123] : memref<8192x2048xf32, #tpu.memory_space<hbm>> -> memref<8x2048xf32, #tpu.memory_space<hbm>>
      %dma_start3A_125 = arith.constant 0 : i32
      %dma_start3A_126 = tpu.memref_slice %arg4[%add3A_122, %dma_start3A_125] : memref<8192x2048xf32, #tpu.memory_space<hbm>> -> memref<8x2048xf32, #tpu.memory_space<hbm>>
      tpu.enqueue_dma source(%arg8 : memref<8x2048xf32, #tpu.memory_space<vmem>>) target(%dma_start3A_126 : memref<8x2048xf32, #tpu.memory_space<hbm>>) target_semaphore(%arg12 : memref<!tpu.dma_semaphore, #tpu.memory_space<semaphore_mem>>)
      %add3A_127 = arith.constant 2 : i32
      %add3A_128 = arith.addi %mul3A_96, %add3A_127 : i32
      %min3A = arith.constant 31 : i32
      %min3A_129 = arith.minsi %add3A_128, %min3A : i32
      %mul3A_130 = arith.constant 8 : i32
      %mul3A_131 = arith.muli %min3A_129, %mul3A_130 : i32
      %add3A_132 = arith.addi %mul3A_2, %mul3A_131 : i32
      %dma_start3A_133 = arith.constant 0 : i32
      %dma_start3A_134 = tpu.memref_slice %arg2[%add3A_132, %dma_start3A_133] : memref<8192x2048xf32, #tpu.memory_space<hbm>> -> memref<8x2048xf32, #tpu.memory_space<hbm>>
      %dma_start3A_135 = arith.constant 0 : i32
      %dma_start3A_136 = tpu.memref_slice %arg2[%add3A_132, %dma_start3A_135] : memref<8192x2048xf32, #tpu.memory_space<hbm>> -> memref<8x2048xf32, #tpu.memory_space<hbm>>
      tpu.enqueue_dma source(%dma_start3A_136 : memref<8x2048xf32, #tpu.memory_space<hbm>>) target(%arg6 : memref<8x2048xf32, #tpu.memory_space<vmem>>) target_semaphore(%arg10 : memref<!tpu.dma_semaphore, #tpu.memory_space<semaphore_mem>>)
      %mul3A_137 = arith.constant 8 : i32
      %mul3A_138 = arith.muli %add3A_98, %mul3A_137 : i32
      %add3A_139 = arith.addi %mul3A_2, %mul3A_138 : i32
      %dma_wait3A_140 = arith.constant 0 : i32
      %dma_wait3A_141 = tpu.memref_slice %arg2[%add3A_139, %dma_wait3A_140] : memref<8192x2048xf32, #tpu.memory_space<hbm>> -> memref<8x2048xf32, #tpu.memory_space<hbm>>
      %dma_wait3A_142 = arith.constant 0 : i32
      %dma_wait3A_143 = tpu.memref_slice %arg2[%add3A_139, %dma_wait3A_142] : memref<8192x2048xf32, #tpu.memory_space<hbm>> -> memref<8x2048xf32, #tpu.memory_space<hbm>>
      tpu.wait_dma2 semaphore(%arg11 : memref<!tpu.dma_semaphore, #tpu.memory_space<semaphore_mem>>) src(%dma_wait3A_143 : memref<8x2048xf32, #tpu.memory_space<hbm>>) dst(%arg7 : memref<8x2048xf32, #tpu.memory_space<vmem>>)
      %mul3A_144 = arith.constant 8 : i32
      %mul3A_145 = arith.muli %add3A_98, %mul3A_144 : i32
      %add3A_146 = arith.addi %mul3A_2, %mul3A_145 : i32
      %dma_wait3A_147 = arith.constant 0 : i32
      %dma_wait3A_148 = tpu.memref_slice %arg4[%add3A_146, %dma_wait3A_147] : memref<8192x2048xf32, #tpu.memory_space<hbm>> -> memref<8x2048xf32, #tpu.memory_space<hbm>>
      %dma_wait3A_149 = arith.constant 0 : i32
      %dma_wait3A_150 = tpu.memref_slice %arg4[%add3A_146, %dma_wait3A_149] : memref<8192x2048xf32, #tpu.memory_space<hbm>> -> memref<8x2048xf32, #tpu.memory_space<hbm>>
      tpu.wait_dma2 semaphore(%arg13 : memref<!tpu.dma_semaphore, #tpu.memory_space<semaphore_mem>>) src(%arg9 : memref<8x2048xf32, #tpu.memory_space<vmem>>) dst(%dma_wait3A_150 : memref<8x2048xf32, #tpu.memory_space<hbm>>)
      %scan3A_151 = arith.constant 0 : i32
      %scan3A_152 = arith.constant 0 : i32
      %scan3A_153 = arith.constant 64 : i32
      %scan3A_154 = arith.addi %scan3A_152, %scan3A_153 : i32
      %scan3A_155 = arith.constant 1 : i32
      %scan3A_156 = scf.for %scan3A_177 = %scan3A_152 to %scan3A_154 step %scan3A_155 iter_args(%scan3A_178 = %scan3A_151) -> (i32)  : i32 {
        %mul3A_179 = arith.constant 2 : i32
        %mul3A_180 = arith.muli %scan3A_177, %mul3A_179 : i32
        %add3A_181 = arith.constant 0 : i32
        %add3A_182 = arith.addi %mul3A_180, %add3A_181 : i32
        %mul3A_183 = arith.constant 16 : i32
        %mul3A_184 = arith.muli %add3A_182, %mul3A_183 : i32
        %multiple_of3A = tpu.assume_multiple %mul3A_184, 16 : i32
        %get3A = arith.index_cast %multiple_of3A : i32 to index
        %get3A_185 = tpu.vector_load %arg5[%get3A] {strides = array<i32>} : memref<2048xi32, #tpu.memory_space<vmem>>, vector<16xi32>,
        %broadcast_in_dim3A = arith.constant 0 : i32
        %broadcast_in_dim3A_186 = vector.broadcast %broadcast_in_dim3A : i32 to vector<16xi32>
        %add3A_187 = arith.constant 0 : i32
        %add3A_188 = vector.broadcast %add3A_187 : i32 to vector<16xi32>
        %add3A_189 = arith.addi %broadcast_in_dim3A_186, %add3A_188 : vector<16xi32>
        %gather3A = tpu.vector_load_idx %arg7[%add3A_189, %get3A_185] : memref<8x2048xf32, #tpu.memory_space<vmem>>[vector<16xi32>, vector<16xi32>], vector<16xf32>,
        %broadcast_in_dim3A_190 = arith.constant 0 : i32
        %broadcast_in_dim3A_191 = vector.broadcast %broadcast_in_dim3A_190 : i32 to vector<16xi32>
        %add3A_192 = arith.constant 1 : i32
        %add3A_193 = vector.broadcast %add3A_192 : i32 to vector<16xi32>
        %add3A_194 = arith.addi %broadcast_in_dim3A_191, %add3A_193 : vector<16xi32>
        %gather3A_195 = tpu.vector_load_idx %arg7[%add3A_194, %get3A_185] : memref<8x2048xf32, #tpu.memory_space<vmem>>[vector<16xi32>, vector<16xi32>], vector<16xf32>,
        %broadcast_in_dim3A_196 = arith.constant 0 : i32
        %broadcast_in_dim3A_197 = vector.broadcast %broadcast_in_dim3A_196 : i32 to vector<16xi32>
        %add3A_198 = arith.constant 2 : i32
        %add3A_199 = vector.broadcast %add3A_198 : i32 to vector<16xi32>
        %add3A_200 = arith.addi %broadcast_in_dim3A_197, %add3A_199 : vector<16xi32>
        %gather3A_201 = tpu.vector_load_idx %arg7[%add3A_200, %get3A_185] : memref<8x2048xf32, #tpu.memory_space<vmem>>[vector<16xi32>, vector<16xi32>], vector<16xf32>,
        %broadcast_in_dim3A_202 = arith.constant 0 : i32
        %broadcast_in_dim3A_203 = vector.broadcast %broadcast_in_dim3A_202 : i32 to vector<16xi32>
        %add3A_204 = arith.constant 3 : i32
        %add3A_205 = vector.broadcast %add3A_204 : i32 to vector<16xi32>
        %add3A_206 = arith.addi %broadcast_in_dim3A_203, %add3A_205 : vector<16xi32>
        %gather3A_207 = tpu.vector_load_idx %arg7[%add3A_206, %get3A_185] : memref<8x2048xf32, #tpu.memory_space<vmem>>[vector<16xi32>, vector<16xi32>], vector<16xf32>,
        %broadcast_in_dim3A_208 = arith.constant 0 : i32
        %broadcast_in_dim3A_209 = vector.broadcast %broadcast_in_dim3A_208 : i32 to vector<16xi32>
        %add3A_210 = arith.constant 4 : i32
        %add3A_211 = vector.broadcast %add3A_210 : i32 to vector<16xi32>
        %add3A_212 = arith.addi %broadcast_in_dim3A_209, %add3A_211 : vector<16xi32>
        %gather3A_213 = tpu.vector_load_idx %arg7[%add3A_212, %get3A_185] : memref<8x2048xf32, #tpu.memory_space<vmem>>[vector<16xi32>, vector<16xi32>], vector<16xf32>,
        %broadcast_in_dim3A_214 = arith.constant 0 : i32
        %broadcast_in_dim3A_215 = vector.broadcast %broadcast_in_dim3A_214 : i32 to vector<16xi32>
        %add3A_216 = arith.constant 5 : i32
        %add3A_217 = vector.broadcast %add3A_216 : i32 to vector<16xi32>
        %add3A_218 = arith.addi %broadcast_in_dim3A_215, %add3A_217 : vector<16xi32>
        %gather3A_219 = tpu.vector_load_idx %arg7[%add3A_218, %get3A_185] : memref<8x2048xf32, #tpu.memory_space<vmem>>[vector<16xi32>, vector<16xi32>], vector<16xf32>,
        %broadcast_in_dim3A_220 = arith.constant 0 : i32
        %broadcast_in_dim3A_221 = vector.broadcast %broadcast_in_dim3A_220 : i32 to vector<16xi32>
        %add3A_222 = arith.constant 6 : i32
        %add3A_223 = vector.broadcast %add3A_222 : i32 to vector<16xi32>
        %add3A_224 = arith.addi %broadcast_in_dim3A_221, %add3A_223 : vector<16xi32>
        %gather3A_225 = tpu.vector_load_idx %arg7[%add3A_224, %get3A_185] : memref<8x2048xf32, #tpu.memory_space<vmem>>[vector<16xi32>, vector<16xi32>], vector<16xf32>,
        %broadcast_in_dim3A_226 = arith.constant 0 : i32
        %broadcast_in_dim3A_227 = vector.broadcast %broadcast_in_dim3A_226 : i32 to vector<16xi32>
        %add3A_228 = arith.constant 7 : i32
        %add3A_229 = vector.broadcast %add3A_228 : i32 to vector<16xi32>
        %add3A_230 = arith.addi %broadcast_in_dim3A_227, %add3A_229 : vector<16xi32>
        %gather3A_231 = tpu.vector_load_idx %arg7[%add3A_230, %get3A_185] : memref<8x2048xf32, #tpu.memory_space<vmem>>[vector<16xi32>, vector<16xi32>], vector<16xf32>,
        %swap3A = arith.constant 0 : i32
        %swap3A_232 = arith.index_cast %swap3A : i32 to index
        %swap3A_233 = arith.index_cast %multiple_of3A : i32 to index
        %swap3A_234 = tpu.vector_load %arg9[%swap3A_232, %swap3A_233] {strides = array<i32>} : memref<8x2048xf32, #tpu.memory_space<vmem>>, vector<16xf32>,
        tpu.vector_store %arg9[%swap3A_232, %swap3A_233], %gather3A {strides = array<i32>} : memref<8x2048xf32, #tpu.memory_space<vmem>>, vector<16xf32>,
        %swap3A_235 = arith.constant 1 : i32
        %swap3A_236 = arith.index_cast %swap3A_235 : i32 to index
        %swap3A_237 = arith.index_cast %multiple_of3A : i32 to index
        %swap3A_238 = tpu.vector_load %arg9[%swap3A_236, %swap3A_237] {strides = array<i32>} : memref<8x2048xf32, #tpu.memory_space<vmem>>, vector<16xf32>,
        tpu.vector_store %arg9[%swap3A_236, %swap3A_237], %gather3A_195 {strides = array<i32>} : memref<8x2048xf32, #tpu.memory_space<vmem>>, vector<16xf32>,
        %swap3A_239 = arith.constant 2 : i32
        %swap3A_240 = arith.index_cast %swap3A_239 : i32 to index
        %swap3A_241 = arith.index_cast %multiple_of3A : i32 to index
        %swap3A_242 = tpu.vector_load %arg9[%swap3A_240, %swap3A_241] {strides = array<i32>} : memref<8x2048xf32, #tpu.memory_space<vmem>>, vector<16xf32>,
        tpu.vector_store %arg9[%swap3A_240, %swap3A_241], %gather3A_201 {strides = array<i32>} : memref<8x2048xf32, #tpu.memory_space<vmem>>, vector<16xf32>,
        %swap3A_243 = arith.constant 3 : i32
        %swap3A_244 = arith.index_cast %swap3A_243 : i32 to index
        %swap3A_245 = arith.index_cast %multiple_of3A : i32 to index
        %swap3A_246 = tpu.vector_load %arg9[%swap3A_244, %swap3A_245] {strides = array<i32>} : memref<8x2048xf32, #tpu.memory_space<vmem>>, vector<16xf32>,
        tpu.vector_store %arg9[%swap3A_244, %swap3A_245], %gather3A_207 {strides = array<i32>} : memref<8x2048xf32, #tpu.memory_space<vmem>>, vector<16xf32>,
        %swap3A_247 = arith.constant 4 : i32
        %swap3A_248 = arith.index_cast %swap3A_247 : i32 to index
        %swap3A_249 = arith.index_cast %multiple_of3A : i32 to index
        %swap3A_250 = tpu.vector_load %arg9[%swap3A_248, %swap3A_249] {strides = array<i32>} : memref<8x2048xf32, #tpu.memory_space<vmem>>, vector<16xf32>,
        tpu.vector_store %arg9[%swap3A_248, %swap3A_249], %gather3A_213 {strides = array<i32>} : memref<8x2048xf32, #tpu.memory_space<vmem>>, vector<16xf32>,
        %swap3A_251 = arith.constant 5 : i32
        %swap3A_252 = arith.index_cast %swap3A_251 : i32 to index
        %swap3A_253 = arith.index_cast %multiple_of3A : i32 to index
        %swap3A_254 = tpu.vector_load %arg9[%swap3A_252, %swap3A_253] {strides = array<i32>} : memref<8x2048xf32, #tpu.memory_space<vmem>>, vector<16xf32>,
        tpu.vector_store %arg9[%swap3A_252, %swap3A_253], %gather3A_219 {strides = array<i32>} : memref<8x2048xf32, #tpu.memory_space<vmem>>, vector<16xf32>,
        %swap3A_255 = arith.constant 6 : i32
        %swap3A_256 = arith.index_cast %swap3A_255 : i32 to index
        %swap3A_257 = arith.index_cast %multiple_of3A : i32 to index
        %swap3A_258 = tpu.vector_load %arg9[%swap3A_256, %swap3A_257] {strides = array<i32>} : memref<8x2048xf32, #tpu.memory_space<vmem>>, vector<16xf32>,
        tpu.vector_store %arg9[%swap3A_256, %swap3A_257], %gather3A_225 {strides = array<i32>} : memref<8x2048xf32, #tpu.memory_space<vmem>>, vector<16xf32>,
        %swap3A_259 = arith.constant 7 : i32
        %swap3A_260 = arith.index_cast %swap3A_259 : i32 to index
        %swap3A_261 = arith.index_cast %multiple_of3A : i32 to index
        %swap3A_262 = tpu.vector_load %arg9[%swap3A_260, %swap3A_261] {strides = array<i32>} : memref<8x2048xf32, #tpu.memory_space<vmem>>, vector<16xf32>,
        tpu.vector_store %arg9[%swap3A_260, %swap3A_261], %gather3A_231 {strides = array<i32>} : memref<8x2048xf32, #tpu.memory_space<vmem>>, vector<16xf32>,
        %mul3A_263 = arith.constant 2 : i32
        %mul3A_264 = arith.muli %scan3A_177, %mul3A_263 : i32
        %add3A_265 = arith.constant 1 : i32
        %add3A_266 = arith.addi %mul3A_264, %add3A_265 : i32
        %mul3A_267 = arith.constant 16 : i32
        %mul3A_268 = arith.muli %add3A_266, %mul3A_267 : i32
        %multiple_of3A_269 = tpu.assume_multiple %mul3A_268, 16 : i32
        %get3A_270 = arith.index_cast %multiple_of3A_269 : i32 to index
        %get3A_271 = tpu.vector_load %arg5[%get3A_270] {strides = array<i32>} : memref<2048xi32, #tpu.memory_space<vmem>>, vector<16xi32>,
        %broadcast_in_dim3A_272 = arith.constant 0 : i32
        %broadcast_in_dim3A_273 = vector.broadcast %broadcast_in_dim3A_272 : i32 to vector<16xi32>
        %add3A_274 = arith.constant 0 : i32
        %add3A_275 = vector.broadcast %add3A_274 : i32 to vector<16xi32>
        %add3A_276 = arith.addi %broadcast_in_dim3A_273, %add3A_275 : vector<16xi32>
        %gather3A_277 = tpu.vector_load_idx %arg7[%add3A_276, %get3A_271] : memref<8x2048xf32, #tpu.memory_space<vmem>>[vector<16xi32>, vector<16xi32>], vector<16xf32>,
        %broadcast_in_dim3A_278 = arith.constant 0 : i32
        %broadcast_in_dim3A_279 = vector.broadcast %broadcast_in_dim3A_278 : i32 to vector<16xi32>
        %add3A_280 = arith.constant 1 : i32
        %add3A_281 = vector.broadcast %add3A_280 : i32 to vector<16xi32>
        %add3A_282 = arith.addi %broadcast_in_dim3A_279, %add3A_281 : vector<16xi32>
        %gather3A_283 = tpu.vector_load_idx %arg7[%add3A_282, %get3A_271] : memref<8x2048xf32, #tpu.memory_space<vmem>>[vector<16xi32>, vector<16xi32>], vector<16xf32>,
        %broadcast_in_dim3A_284 = arith.constant 0 : i32
        %broadcast_in_dim3A_285 = vector.broadcast %broadcast_in_dim3A_284 : i32 to vector<16xi32>
        %add3A_286 = arith.constant 2 : i32
        %add3A_287 = vector.broadcast %add3A_286 : i32 to vector<16xi32>
        %add3A_288 = arith.addi %broadcast_in_dim3A_285, %add3A_287 : vector<16xi32>
        %gather3A_289 = tpu.vector_load_idx %arg7[%add3A_288, %get3A_271] : memref<8x2048xf32, #tpu.memory_space<vmem>>[vector<16xi32>, vector<16xi32>], vector<16xf32>,
        %broadcast_in_dim3A_290 = arith.constant 0 : i32
        %broadcast_in_dim3A_291 = vector.broadcast %broadcast_in_dim3A_290 : i32 to vector<16xi32>
        %add3A_292 = arith.constant 3 : i32
        %add3A_293 = vector.broadcast %add3A_292 : i32 to vector<16xi32>
        %add3A_294 = arith.addi %broadcast_in_dim3A_291, %add3A_293 : vector<16xi32>
        %gather3A_295 = tpu.vector_load_idx %arg7[%add3A_294, %get3A_271] : memref<8x2048xf32, #tpu.memory_space<vmem>>[vector<16xi32>, vector<16xi32>], vector<16xf32>,
        %broadcast_in_dim3A_296 = arith.constant 0 : i32
        %broadcast_in_dim3A_297 = vector.broadcast %broadcast_in_dim3A_296 : i32 to vector<16xi32>
        %add3A_298 = arith.constant 4 : i32
        %add3A_299 = vector.broadcast %add3A_298 : i32 to vector<16xi32>
        %add3A_300 = arith.addi %broadcast_in_dim3A_297, %add3A_299 : vector<16xi32>
        %gather3A_301 = tpu.vector_load_idx %arg7[%add3A_300, %get3A_271] : memref<8x2048xf32, #tpu.memory_space<vmem>>[vector<16xi32>, vector<16xi32>], vector<16xf32>,
        %broadcast_in_dim3A_302 = arith.constant 0 : i32
        %broadcast_in_dim3A_303 = vector.broadcast %broadcast_in_dim3A_302 : i32 to vector<16xi32>
        %add3A_304 = arith.constant 5 : i32
        %add3A_305 = vector.broadcast %add3A_304 : i32 to vector<16xi32>
        %add3A_306 = arith.addi %broadcast_in_dim3A_303, %add3A_305 : vector<16xi32>
        %gather3A_307 = tpu.vector_load_idx %arg7[%add3A_306, %get3A_271] : memref<8x2048xf32, #tpu.memory_space<vmem>>[vector<16xi32>, vector<16xi32>], vector<16xf32>,
        %broadcast_in_dim3A_308 = arith.constant 0 : i32
        %broadcast_in_dim3A_309 = vector.broadcast %broadcast_in_dim3A_308 : i32 to vector<16xi32>
        %add3A_310 = arith.constant 6 : i32
        %add3A_311 = vector.broadcast %add3A_310 : i32 to vector<16xi32>
        %add3A_312 = arith.addi %broadcast_in_dim3A_309, %add3A_311 : vector<16xi32>
        %gather3A_313 = tpu.vector_load_idx %arg7[%add3A_312, %get3A_271] : memref<8x2048xf32, #tpu.memory_space<vmem>>[vector<16xi32>, vector<16xi32>], vector<16xf32>,
        %broadcast_in_dim3A_314 = arith.constant 0 : i32
        %broadcast_in_dim3A_315 = vector.broadcast %broadcast_in_dim3A_314 : i32 to vector<16xi32>
        %add3A_316 = arith.constant 7 : i32
        %add3A_317 = vector.broadcast %add3A_316 : i32 to vector<16xi32>
        %add3A_318 = arith.addi %broadcast_in_dim3A_315, %add3A_317 : vector<16xi32>
        %gather3A_319 = tpu.vector_load_idx %arg7[%add3A_318, %get3A_271] : memref<8x2048xf32, #tpu.memory_space<vmem>>[vector<16xi32>, vector<16xi32>], vector<16xf32>,
        %swap3A_320 = arith.constant 0 : i32
        %swap3A_321 = arith.index_cast %swap3A_320 : i32 to index
        %swap3A_322 = arith.index_cast %multiple_of3A_269 : i32 to index
        %swap3A_323 = tpu.vector_load %arg9[%swap3A_321, %swap3A_322] {strides = array<i32>} : memref<8x2048xf32, #tpu.memory_space<vmem>>, vector<16xf32>,
        tpu.vector_store %arg9[%swap3A_321, %swap3A_322], %gather3A_277 {strides = array<i32>} : memref<8x2048xf32, #tpu.memory_space<vmem>>, vector<16xf32>,
        %swap3A_324 = arith.constant 1 : i32
        %swap3A_325 = arith.index_cast %swap3A_324 : i32 to index
        %swap3A_326 = arith.index_cast %multiple_of3A_269 : i32 to index
        %swap3A_327 = tpu.vector_load %arg9[%swap3A_325, %swap3A_326] {strides = array<i32>} : memref<8x2048xf32, #tpu.memory_space<vmem>>, vector<16xf32>,
        tpu.vector_store %arg9[%swap3A_325, %swap3A_326], %gather3A_283 {strides = array<i32>} : memref<8x2048xf32, #tpu.memory_space<vmem>>, vector<16xf32>,
        %swap3A_328 = arith.constant 2 : i32
        %swap3A_329 = arith.index_cast %swap3A_328 : i32 to index
        %swap3A_330 = arith.index_cast %multiple_of3A_269 : i32 to index
        %swap3A_331 = tpu.vector_load %arg9[%swap3A_329, %swap3A_330] {strides = array<i32>} : memref<8x2048xf32, #tpu.memory_space<vmem>>, vector<16xf32>,
        tpu.vector_store %arg9[%swap3A_329, %swap3A_330], %gather3A_289 {strides = array<i32>} : memref<8x2048xf32, #tpu.memory_space<vmem>>, vector<16xf32>,
        %swap3A_332 = arith.constant 3 : i32
        %swap3A_333 = arith.index_cast %swap3A_332 : i32 to index
        %swap3A_334 = arith.index_cast %multiple_of3A_269 : i32 to index
        %swap3A_335 = tpu.vector_load %arg9[%swap3A_333, %swap3A_334] {strides = array<i32>} : memref<8x2048xf32, #tpu.memory_space<vmem>>, vector<16xf32>,
        tpu.vector_store %arg9[%swap3A_333, %swap3A_334], %gather3A_295 {strides = array<i32>} : memref<8x2048xf32, #tpu.memory_space<vmem>>, vector<16xf32>,
        %swap3A_336 = arith.constant 4 : i32
        %swap3A_337 = arith.index_cast %swap3A_336 : i32 to index
        %swap3A_338 = arith.index_cast %multiple_of3A_269 : i32 to index
        %swap3A_339 = tpu.vector_load %arg9[%swap3A_337, %swap3A_338] {strides = array<i32>} : memref<8x2048xf32, #tpu.memory_space<vmem>>, vector<16xf32>,
        tpu.vector_store %arg9[%swap3A_337, %swap3A_338], %gather3A_301 {strides = array<i32>} : memref<8x2048xf32, #tpu.memory_space<vmem>>, vector<16xf32>,
        %swap3A_340 = arith.constant 5 : i32
        %swap3A_341 = arith.index_cast %swap3A_340 : i32 to index
        %swap3A_342 = arith.index_cast %multiple_of3A_269 : i32 to index
        %swap3A_343 = tpu.vector_load %arg9[%swap3A_341, %swap3A_342] {strides = array<i32>} : memref<8x2048xf32, #tpu.memory_space<vmem>>, vector<16xf32>,
        tpu.vector_store %arg9[%swap3A_341, %swap3A_342], %gather3A_307 {strides = array<i32>} : memref<8x2048xf32, #tpu.memory_space<vmem>>, vector<16xf32>,
        %swap3A_344 = arith.constant 6 : i32
        %swap3A_345 = arith.index_cast %swap3A_344 : i32 to index
        %swap3A_346 = arith.index_cast %multiple_of3A_269 : i32 to index
        %swap3A_347 = tpu.vector_load %arg9[%swap3A_345, %swap3A_346] {strides = array<i32>} : memref<8x2048xf32, #tpu.memory_space<vmem>>, vector<16xf32>,
        tpu.vector_store %arg9[%swap3A_345, %swap3A_346], %gather3A_313 {strides = array<i32>} : memref<8x2048xf32, #tpu.memory_space<vmem>>, vector<16xf32>,
        %swap3A_348 = arith.constant 7 : i32
        %swap3A_349 = arith.index_cast %swap3A_348 : i32 to index
        %swap3A_350 = arith.index_cast %multiple_of3A_269 : i32 to index
        %swap3A_351 = tpu.vector_load %arg9[%swap3A_349, %swap3A_350] {strides = array<i32>} : memref<8x2048xf32, #tpu.memory_space<vmem>>, vector<16xf32>,
        tpu.vector_store %arg9[%swap3A_349, %swap3A_350], %gather3A_319 {strides = array<i32>} : memref<8x2048xf32, #tpu.memory_space<vmem>>, vector<16xf32>,
        %scan3A_352 = arith.constant 0 : i32
        scf.yield %scan3A_352 : i32
      }
      %scan3A_157 = arith.constant 64 : i32
      %mul3A_158 = arith.constant 8 : i32
      %mul3A_159 = arith.muli %add3A_98, %mul3A_158 : i32
      %add3A_160 = arith.addi %mul3A_2, %mul3A_159 : i32
      %dma_start3A_161 = arith.constant 0 : i32
      %dma_start3A_162 = tpu.memref_slice %arg4[%add3A_160, %dma_start3A_161] : memref<8192x2048xf32, #tpu.memory_space<hbm>> -> memref<8x2048xf32, #tpu.memory_space<hbm>>
      %dma_start3A_163 = arith.constant 0 : i32
      %dma_start3A_164 = tpu.memref_slice %arg4[%add3A_160, %dma_start3A_163] : memref<8192x2048xf32, #tpu.memory_space<hbm>> -> memref<8x2048xf32, #tpu.memory_space<hbm>>
      tpu.enqueue_dma source(%arg9 : memref<8x2048xf32, #tpu.memory_space<vmem>>) target(%dma_start3A_164 : memref<8x2048xf32, #tpu.memory_space<hbm>>) target_semaphore(%arg13 : memref<!tpu.dma_semaphore, #tpu.memory_space<semaphore_mem>>)
      %add3A_165 = arith.constant 2 : i32
      %add3A_166 = arith.addi %add3A_98, %add3A_165 : i32
      %min3A_167 = arith.constant 31 : i32
      %min3A_168 = arith.minsi %add3A_166, %min3A_167 : i32
      %mul3A_169 = arith.constant 8 : i32
      %mul3A_170 = arith.muli %min3A_168, %mul3A_169 : i32
      %add3A_171 = arith.addi %mul3A_2, %mul3A_170 : i32
      %dma_start3A_172 = arith.constant 0 : i32
      %dma_start3A_173 = tpu.memref_slice %arg2[%add3A_171, %dma_start3A_172] : memref<8192x2048xf32, #tpu.memory_space<hbm>> -> memref<8x2048xf32, #tpu.memory_space<hbm>>
      %dma_start3A_174 = arith.constant 0 : i32
      %dma_start3A_175 = tpu.memref_slice %arg2[%add3A_171, %dma_start3A_174] : memref<8192x2048xf32, #tpu.memory_space<hbm>> -> memref<8x2048xf32, #tpu.memory_space<hbm>>
      tpu.enqueue_dma source(%dma_start3A_175 : memref<8x2048xf32, #tpu.memory_space<hbm>>) target(%arg7 : memref<8x2048xf32, #tpu.memory_space<vmem>>) target_semaphore(%arg11 : memref<!tpu.dma_semaphore, #tpu.memory_space<semaphore_mem>>)
      %scan3A_176 = arith.constant 0 : i32
      scf.yield %scan3A_176 : i32
    }
    %scan3A_68 = arith.constant 15 : i32
    %add3A_69 = arith.constant 248 : i32
    %add3A_70 = arith.addi %mul3A_2, %add3A_69 : i32
    %dma_wait3A_71 = arith.constant 0 : i32
    %dma_wait3A_72 = tpu.memref_slice %arg2[%add3A_70, %dma_wait3A_71] : memref<8192x2048xf32, #tpu.memory_space<hbm>> -> memref<8x2048xf32, #tpu.memory_space<hbm>>
    %dma_wait3A_73 = arith.constant 0 : i32
    %dma_wait3A_74 = tpu.memref_slice %arg2[%add3A_70, %dma_wait3A_73] : memref<8192x2048xf32, #tpu.memory_space<hbm>> -> memref<8x2048xf32, #tpu.memory_space<hbm>>
    tpu.wait_dma2 semaphore(%arg10 : memref<!tpu.dma_semaphore, #tpu.memory_space<semaphore_mem>>) src(%dma_wait3A_74 : memref<8x2048xf32, #tpu.memory_space<hbm>>) dst(%arg6 : memref<8x2048xf32, #tpu.memory_space<vmem>>)
    %add3A_75 = arith.constant 248 : i32
    %add3A_76 = arith.addi %mul3A_2, %add3A_75 : i32
    %dma_wait3A_77 = arith.constant 0 : i32
    %dma_wait3A_78 = tpu.memref_slice %arg2[%add3A_76, %dma_wait3A_77] : memref<8192x2048xf32, #tpu.memory_space<hbm>> -> memref<8x2048xf32, #tpu.memory_space<hbm>>
    %dma_wait3A_79 = arith.constant 0 : i32
    %dma_wait3A_80 = tpu.memref_slice %arg2[%add3A_76, %dma_wait3A_79] : memref<8192x2048xf32, #tpu.memory_space<hbm>> -> memref<8x2048xf32, #tpu.memory_space<hbm>>
    tpu.wait_dma2 semaphore(%arg11 : memref<!tpu.dma_semaphore, #tpu.memory_space<semaphore_mem>>) src(%dma_wait3A_80 : memref<8x2048xf32, #tpu.memory_space<hbm>>) dst(%arg7 : memref<8x2048xf32, #tpu.memory_space<vmem>>)
    %add3A_81 = arith.constant 240 : i32
    %add3A_82 = arith.addi %mul3A_2, %add3A_81 : i32
    %dma_wait3A_83 = arith.constant 0 : i32
    %dma_wait3A_84 = tpu.memref_slice %arg4[%add3A_82, %dma_wait3A_83] : memref<8192x2048xf32, #tpu.memory_space<hbm>> -> memref<8x2048xf32, #tpu.memory_space<hbm>>
    %dma_wait3A_85 = arith.constant 0 : i32
    %dma_wait3A_86 = tpu.memref_slice %arg4[%add3A_82, %dma_wait3A_85] : memref<8192x2048xf32, #tpu.memory_space<hbm>> -> memref<8x2048xf32, #tpu.memory_space<hbm>>
    tpu.wait_dma2 semaphore(%arg12 : memref<!tpu.dma_semaphore, #tpu.memory_space<semaphore_mem>>) src(%arg8 : memref<8x2048xf32, #tpu.memory_space<vmem>>) dst(%dma_wait3A_86 : memref<8x2048xf32, #tpu.memory_space<hbm>>)
    %add3A_87 = arith.constant 248 : i32
    %add3A_88 = arith.addi %mul3A_2, %add3A_87 : i32
    %dma_wait3A_89 = arith.constant 0 : i32
    %dma_wait3A_90 = tpu.memref_slice %arg4[%add3A_88, %dma_wait3A_89] : memref<8192x2048xf32, #tpu.memory_space<hbm>> -> memref<8x2048xf32, #tpu.memory_space<hbm>>
    %dma_wait3A_91 = arith.constant 0 : i32
    %dma_wait3A_92 = tpu.memref_slice %arg4[%add3A_88, %dma_wait3A_91] : memref<8192x2048xf32, #tpu.memory_space<hbm>> -> memref<8x2048xf32, #tpu.memory_space<hbm>>
    tpu.wait_dma2 semaphore(%arg13 : memref<!tpu.dma_semaphore, #tpu.memory_space<semaphore_mem>>) src(%arg9 : memref<8x2048xf32, #tpu.memory_space<vmem>>) dst(%dma_wait3A_92 : memref<8x2048xf32, #tpu.memory_space<hbm>>)
    return
  }
}

</mosaic_0001>

<sc_bundles>
// kernel: _permute.3.cloned.1.call-start
scs
__scs_entry_jumppad:
0x0: {  	(pc) =	sbr.rel $0x88, $3  }
0x1: {  	(tag) =	ssettag $0x0;
	lr =	simm.s32 $0x1  }
0x2: {  	[smem:$0x3F9F] =	sst lr;
	_ =	strace $0xD0000000  }
0x3: {  	_ = 	snop  }
0x4: {  	_ = 	snop  }
0x5: {  	_ = 	snop  }
0x6: {  	_ = 	snop  }
0x7: {  	_ = 	snop  }
__scs_overlays_trampoline_lowered:
0x8: {  	[smem:$0x3FAE] =	sst s0  }
0x9: {  	[smem:$0x3FAF] =	sst s1  }
0xa: {  	[smem:$0x3FB0] =	sst s2  }
0xb: {  	[smem:$0x3FB1] =	sst s3  }
0xc: {  	[smem:$0x3FB2] =	sst s4  }
0xd: {  	[smem:$0x3FB3] =	sst s5  }
0xe: {  	[smem:$0x3FB4] =	sst s6  }
0xf: {  	[smem:$0x3FB5] =	sst s7  }
0x10: {  	[smem:$0x3FB6] =	sst s8  }
0x11: {  	[smem:$0x3FB7] =	sst s9;
	s0 =	simm.s32 @!p0 $0x0  }
0x12: {  	s1 =	sld [smem:$0x3F9D];
	s0 =	simm.s32 @p0 $0x1  }
0x13: {  	[smem:$0x3FB8] =	sst s0;
	s0 =	simm.s32 @!p1 $0x0  }
0x14: {  	s2 =	sld [smem:$0x3F9C];
	s0 =	simm.s32 @p1 $0x1  }
0x15: {  	[smem:$0x3FB9] =	sst s0;
	s0 =	simm.s32 @!p2 $0x0  }
0x16: {  	s3 =	sld [smem:$0x3FDB];
	s0 =	simm.s32 @p2 $0x1  }
0x17: {  	s4 =	simm.s32 $0x1BF5;
	[smem:$0x3FBB] =	sst s0  }
0x18: {  	s0 =	sld [smem:$0x3F9E];
	_ =	swait.ge [sflag:s4], $0x0  }
0x19: {  	s7 =	sld [smem:$0x3F9F]  }
0x1a: {  	s8 =	sadd.s32 $0xFFFFE003, lr  }
0x1b: {  	s9 =	sadd.s32 $0xFFFFFEF7, lr;
	s5 =	simm.s32 $0xFFFFFFFF;
	p2 =	slt.u32 s8, $0xFFFFF086  }
0x1c: {  	p1 =	slt.u32 s9, $0xF7A;
	s5 =	simm.s32 @!p2 $0x0  }
0x1d: {  	s5 =	simm.s32 @p1 $0x1;
	p0 =	seq.s32 s7, s2  }
0x1e: {  	s7 =	smul.u32 @!p0 $0xF7A, s2;
	p2 =	seq.s32 @!p0 s5, $0x0  }
0x1f: {  	s9 =	smul.u32 $0xF7A, s1;
	s8 =	simm.s32 @!p0 $0x1BF5;
	p2 =	por !p2, p0  }
0x20: {  	[sflag:s8] =	ssyncset.s32 @!p0 $0xFFFFF086;
	s6 =	sadd.s32 @!p0 s3, s7;
	s7 =	simm.s32 @!p0 $0x108  }
0x21: {  	s3 =	sadd.s32 s3, s9;
	s6 =	sadd.s32 @!p0 $0x88, s6;
	s7 =	simm.s32 @p2 $0x1082  }
0x22: {  	[simem:s7], [sflag:s8] =	dma.local @!p0 [hbm:s6], $0xF7A  }
0x23: {  	s9 =	sor.u32 $0xD0000000, s2;
	s6 =	simm.s32 $0x108;
	_ =	swait.ge @!p0 [sflag:s8], $0x0  }
0x24: {  	s3 =	sadd.s32 $0x88, s3;
	s6 =	simm.s32 @!p1 $0x1082;
	[sflag:s4] =	ssyncset.s32 $0xFFFFF086  }
0x25: {  	[simem:s6], [sflag:s4] =	dma.local [hbm:s3], $0xF7A  }
0x26: {  	[smem:$0x3F9F] =	sst s1;
	(tag) =	ssettag s2;
	_ =	strace s9  }
0x27: {  	s1 =	sld [smem:$0x3FAF]  }
0x28: {  	s2 =	sld [smem:$0x3FB0]  }
0x29: {  	s4 =	sld [smem:$0x3FB2]  }
0x2a: {  	p0 =	seq.s32 s5, $0x0;
	s5 =	sld [smem:$0x3FB3]  }
0x2b: {  	s6 =	sld [smem:$0x3FB4]  }
0x2c: {  	s7 =	sld [smem:$0x3FB5]  }
0x2d: {  	s3 =	simm.s32 $0x108;
	s8 =	sld [smem:$0x3FB6]  }
0x2e: {  	s3 =	simm.s32 @!p0 $0x1082;
	s9 =	sld [smem:$0x3FB7]  }
0x2f: {  	lr =	sadd.s32 s0, s3;
	s0 =	sld [smem:$0x3FAE]  }
0x30: {  	s3 =	sld [smem:$0x3FB1]  }
0x31: {  	[smem:$0x3FBA] =	sst s10  }
0x32: {  	s10 =	sld [smem:$0x3FB8];
	_ =	sdelay $0x3  }
0x33: {  	p0 =	seq.s32 s10, $0x1;
	s10 =	sld [smem:$0x3FBA];
	_ =	sdelay $0x3  }
0x34: {  	[smem:$0x3FBA] =	sst s10  }
0x35: {  	s10 =	sld [smem:$0x3FB9];
	_ =	sdelay $0x3  }
0x36: {  	p1 =	seq.s32 s10, $0x1;
	s10 =	sld [smem:$0x3FBA];
	_ =	sdelay $0x3  }
0x37: {  	[smem:$0x3FBA] =	sst s10  }
0x38: {  	s10 =	sld [smem:$0x3FBB]  }
0x39: {  	_ = 	snop;
	(pc) =	sbr.ind lr, $3  }
0x3a: {  	_ = 	snop  }
0x3b: {  	_ = 	snop  }
0x3c: {  	p2 =	seq.s32 s10, $0x1;
	s10 =	sld [smem:$0x3FBA]  }
0x3d: {  	_ =	shalt  }
0x3e: {  	_ =	shalt  }
0x3f: {  	_ =	shalt  }
0x40: {  	_ =	shalt  }
0x41: {  	_ =	shalt  }
0x42: {  	_ =	shalt  }
0x43: {  	_ =	shalt  }
0x44: {  	_ =	shalt  }
0x45: {  	_ =	shalt  }
0x46: {  	_ =	shalt  }
0x47: {  	_ =	shalt  }
0x48: {  	_ =	shalt  }
0x49: {  	_ =	shalt  }
0x4a: {  	_ =	shalt  }
0x4b: {  	_ =	shalt  }
0x4c: {  	_ =	shalt  }
0x4d: {  	_ =	shalt  }
0x4e: {  	_ =	shalt  }
0x4f: {  	_ =	shalt  }
0x50: {  	_ =	shalt  }
0x51: {  	_ =	shalt  }
0x52: {  	_ =	shalt  }
0x53: {  	_ =	shalt  }
0x54: {  	_ =	shalt  }
0x55: {  	_ =	shalt  }
0x56: {  	_ =	shalt  }
0x57: {  	_ =	shalt  }
0x58: {  	_ =	shalt  }
0x59: {  	_ =	shalt  }
0x5a: {  	_ =	shalt  }
0x5b: {  	_ =	shalt  }
0x5c: {  	_ =	shalt  }
0x5d: {  	_ =	shalt  }
0x5e: {  	_ =	shalt  }
0x5f: {  	_ =	shalt  }
0x60: {  	_ =	shalt  }
0x61: {  	_ =	shalt  }
0x62: {  	_ =	shalt  }
0x63: {  	_ =	shalt  }
0x64: {  	_ =	shalt  }
0x65: {  	_ =	shalt  }
0x66: {  	_ =	shalt  }
0x67: {  	_ =	shalt  }
0x68: {  	_ =	shalt  }
0x69: {  	_ =	shalt  }
0x6a: {  	_ =	shalt  }
0x6b: {  	_ =	shalt  }
0x6c: {  	_ =	shalt  }
0x6d: {  	_ =	shalt  }
0x6e: {  	_ =	shalt  }
0x6f: {  	_ =	shalt  }
0x70: {  	_ =	shalt  }
0x71: {  	_ =	shalt  }
0x72: {  	_ =	shalt  }
0x73: {  	_ =	shalt  }
0x74: {  	_ =	shalt  }
0x75: {  	_ =	shalt  }
0x76: {  	_ =	shalt  }
0x77: {  	_ =	shalt  }
0x78: {  	_ =	shalt  }
0x79: {  	_ =	shalt  }
0x7a: {  	_ =	shalt  }
0x7b: {  	_ =	shalt  }
0x7c: {  	_ =	shalt  }
0x7d: {  	_ =	shalt  }
0x7e: {  	_ =	shalt  }
0x7f: {  	_ =	shalt  }
0x80: {  	_ =	shalt  }
0x81: {  	_ =	shalt  }
0x82: {  	_ =	shalt  }
0x83: {  	_ =	shalt  }
0x84: {  	_ =	shalt  }
0x85: {  	_ =	shalt  }
0x86: {  	_ =	shalt  }
0x87: {  	_ =	shalt  }
.Lfunc_end0:
.L_simem_size_0:
called_computation_lowered:
.L_overlay_start_0:
0x88: {  	s2 =	sld [smem:$0x3FD9]  }
0x89: {  	s3 =	sld [smem:$0x3FFE];
	_ =	sdelay $0x1  }
0x8a: {  	s1 =	srdreg.scid  }
0x8b: {  	s0 =	sand.u32 $0x1, s1  }
0x8c: {  	s18 =	sshll.u32 s0, $0xA;
	s2 =	sadd.s32 s3, s2  }
0x8d: {  	s2 =	sadd.s32 s2, s18  }
0x8e: {  	[smem:$0x3FC6] =	sst s2  }
0x8f: {  	_ = 	snop  }
0x90: {  	s2 =	sld [smem:$0x3FC9]  }
0x91: {  	s19 =	sld [smem:$0x3FC8]  }
0x92: {  	s4 =	sld [smem:$0x3FD0];
	(tm) =	ssettm $0x1  }
0x93: {  	s5 =	sld [smem:$0x3FFB];
	_ =	sdelay $0x3  }
0x94: {  	_ =	strace s5  }
0x95: {  	s5 =	sld [smem:$0x3FFC];
	_ =	sdelay $0x3  }
0x96: {  	_ =	strace s5  }
0x97: {  	s5 =	sld [smem:$0x3FFD];
	_ =	sdelay $0x3  }
0x98: {  	_ =	strace s5  }
0x99: {  	_ =	strace $0x8FFFFFFF  }
0x9a: {  	s20 =	sld [smem:$0x3FDB];
	_ =	sdelay $0x1  }
0x9b: {  	s6 =	simm.s32 $_scs_section_size  }
0x9c: {  	s7 =	simm.s32 $_size__tile_overlayer_lowered;
	s8 =	simm.s32 $_tile_overlayer_lowered  }
0x9d: {  	s23 =	simm.s32 $0x1BFF;
	s22 =	sshll.u32 s8, $0x1;
	s5 =	sadd.s32 s6, s20  }
0x9e: {  	s9 =	simm.s32 $0x0;
	s21 =	sshll.u32 s7, $0x1;
	s7 =	sadd.s32 s22, s5  }
0x9f: {  	[timem:s9], [sflag:s23] =	dma.local [hbm:s7], s21  }
0xa0: {  	_ =	swait.ge [sflag:s23], s21  }
0xa1: {  	s6 =	ssub.s32 $0x0, s21;
	[sflag:s23] =	ssyncset.done $0x0  }
0xa2: {  	[sflag:s23] =	ssyncadd.s32 s6;
	_ =	sdelay $0x1  }
0xa3: {  	s24 =	simm.s32 $0x1B8B  }
0xa4: {  	_ =	swait.ge [sflag:s24], $0x1  }
0xa5: {  	[sflag:s24] =	ssyncset.done $0x0  }
0xa6: {  	s25 =	simm.s32 $0x1B8E;
	[sflag:s24] =	ssyncadd.s32 $0xFFFFFFFF  }
0xa7: {  	s26 =	simm.s32 $execute0_lowered;
	[smem:$0x3FD2] =	sst s25  }
0xa8: {  	s6 =	sshll.u32 s26, $0x1;
	_ =	strace $0x80000046;
	[dreg:$0x1] =	wrdreg $0xFFFFFFFF  }
0xa9: {  	s28 =	simm.s32 $_size_execute0_lowered;
	s5 =	sadd.s32 s5, s6;
	[dreg:$0x0] =	wrdreg $0x0  }
0xaa: {  	s6 =	sshll.u32 s28, $0x1;
	[dreg:$0x2] =	wrdreg s5  }
0xab: {  	[dreg:$0x3] =	wrdreg s6  }
0xac: {  	[dreg:$0x4] =	wrdreg $0xC0  }
0xad: {  	_ =	task [dreg:s9], $0x5FFFF  }
0xae: {  	[dreg:$0x1] =	wrdreg $0xFFFFFFFF  }
0xaf: {  	[dreg:$0x0] =	wrdreg $0x60  }
0xb0: {  	[dreg:$0x2] =	wrdreg s2  }
0xb1: {  	[dreg:$0x3] =	wrdreg s19  }
0xb2: {  	[dreg:$0x4] =	wrdreg s4  }
0xb3: {  	[dreg:$0x5] =	wrdreg $0x9  }
0xb4: {  	_ =	task.clear_ibuf [dreg:s9], $0x6FFFF;
	_ =	strace $0x90000046  }
0xb5: {  	s29 =	simm.s32 $0x9;
	_ =	strace $0x80000048  }
0xb6: {  	_ =	swait.ge [sflag:s29], $0x1  }
0xb7: {  	[sflag:s29] =	ssyncadd.s32 $0xFFFFFFFF  }
0xb8: {  	_ =	strace $0x90000048  }
0xb9: {  	_ =	sfence  }
0xba: {  	s30 =	sld [smem:$0x0];
	_ =	sdelay $0x2  }
0xbb: {  	s31 =	sshll.u32 s1, $0xD;
	s1 =	sshrl.u32 s1, $0x2  }
0xbc: {  	s3 =	sand.u32 $0x4000, s31;
	s1 =	sadd.s32 s1, s30  }
0xbd: {  	s0 =	sor.u32 s3, s0;
	s1 =	sshll.u32 s1, $0x11  }
0xbe: {  	s0 =	sor.u32 s1, s0  }
0xbf: {  	s0 =	sadd.s32 $0x8F2B, s0  }
0xc0: {  	[sflag:s0] =	ssyncadd.remote.s32 $0x1  }
0xc1: {  	_ =	sfence.sel $0xFFFF  }
0xc2: {  	[dreg:$0x0] =	wrdreg $0xFFFFFFFF;
	(pc) =	sbr.abs _section_cstart, $3  }
0xc3: {  	[dreg:$0x1] =	wrdreg $0xFFFFFFFF  }
0xc4: {  	_ =	task.clear_ibuf [dreg:s9], $0x2FFFF;
	_ =	strace $0x9FFFFFFF  }
0xc5: {  	(tm) =	ssettm $0x7FFFFFFF  }
tec
execute0_lowered:
.L_overlay_start_1:
0x0: {  	(tag) =	ssettag $0x1  }
0x1: {  	s1 =	rddreg [dreg:$0x0];
	s2 =	srdreg.scid  }
0x2: {  	s0 =	stileid.u32;
	s9 =	rddreg [dreg:$0x2];
	s4 =	simm.s32 $0x0  }
0x3: {  	s14 =	simm.s32 $0x5;
	s15 =	simm.s32 $0x800;
	s16 =	simm.s32 $0x4800  }
0x4: {  	s17 =	simm.s32 $0x1;
	s18 =	simm.s32 $0x8800;
	s19 =	simm.s32 $0x2  }
0x5: {  	s20 =	simm.s32 $0xC800;
	s21 =	simm.s32 $0x3;
	s22 =	simm.s32 $0x4  }
0x6: {  	s23 =	simm.s32 $0x0;
	s5 =	sand.u32 $0x1, s2;
	s6 =	sshll.u32 s0, $0x9  }
0x7: {  	[smem:$0x7FF] =	sst s4;
	s7 =	sshll.u32 s5, $0x8;
	s5 =	ssub.s32 $0x2, s5  }
0x8: {  	_ =	strace $0x80000047;
	s10 =	sor.u32 s7, s6;
	s29 =	sshrl.u32 s5, $0x1  }
0x9: {  	s7 =	sshll.u32 s10, $0x8;
	s13 =	ssub.s32 s5, s29;
	s12 =	sshrl.u32 s10, $0x3  }
0xa: {  	s11 =	sor.u32 $0x800, s7;
	s5 =	sadd.s32 s1, s7;
	s7 =	sadd.s32 s9, s7  }
0xb: {  	s13 =	smax.u32 s13, $0x1;
	s30 =	sadd.s32 s1, s11;
	s31 =	sadd.s32 $0x1000, s5  }
0xc: {  	s9 =	sadd.s32 s9, s11;
	s10 =	sadd.s32 $0x1800, s5;
	[dreg:$0x4] =	wrdreg s30  }
0xd: {  	s11 =	sor.u32 $0x2, s12;
	s12 =	sor.u32 $0x3, s12;
	[dreg:$0x5] =	wrdreg s31  }
.LBB2_1:
0xe: {  	s0 =	rddreg [dreg:$0x1]  }
0xf: {  	[tilespmem:s4], [sflag:$0x5] =	stream.linear.gather [hbm4b:s0+s4], $0x800, $0x38;
	[tilespmem:$0x10800] =	vst v63  }
0x10: {  	_ =	swait.ge [sflag:s14], $0x800  }
0x11: {  	[sflag:s14] =	ssyncset.done $0x0  }
0x12: {  	[sflag:s14] =	ssyncadd.s32 $0xFFFFF800  }
0x13: {  	[tilespmem:s15], [sflag:$0x1] =	stream.linear.gather [hbm4b:s5+s4], $0x4000, $0x38;
	[tilespmem:$0x10800] =	vst v63  }
0x14: {  	s31 =	rddreg [dreg:$0x4]  }
0x15: {  	[tilespmem:s16], [sflag:$0x2] =	stream.linear.gather [hbm4b:s31+s4], $0x4000, $0x38;
	[tilespmem:$0x10800] =	vst v63  }
0x16: {  	_ =	swait.ge [sflag:s17], $0x4000  }
0x17: {  	s24 =	simm.s32 $0x0;
	s25 =	simm.s32 $0x0;
	[sflag:s17] =	ssyncset.done $0x0  }
0x18: {  	s26 =	simm.s32 $0x0;
	s28 =	simm.s32 $0x0;
	[sflag:s17] =	ssyncadd.s32 $0xFFFFC000  }
.LBB2_2:
0x19: {  	v0 =	vld [tilespmem:s24+$0x0];
	_ =	sdelay $0x4  }
0x1a: {  	v1 =	vshll.u32 v0, $0x3  }
0x1b: {  	v0 =	vand.u32 $0x7F, v0;
	v1 =	vand.u32 $0xFFFFFC00, v1  }
0x1c: {  	v0 =	vor.u32 v0, v1  }
0x1d: {  	v1 =	vor.u32 $0x80, v0  }
0x1e: {  	v2 =	vor.u32 $0x100, v0  }
0x1f: {  	v3 =	vor.u32 $0x180, v0  }
0x20: {  	v4 =	vor.u32 $0x200, v0  }
0x21: {  	v6 =	vor.u32 $0x280, v0;
	v5 =	vld.idx.msk [tilespmem:v0+s15+$0x0], $0xffff  }
0x22: {  	v7 =	vor.u32 $0x300, v0;
	v1 =	vld.idx.msk [tilespmem:v1+s15+$0x0], $0xffff  }
0x23: {  	v0 =	vor.u32 $0x380, v0;
	v2 =	vld.idx.msk [tilespmem:v2+s15+$0x0], $0xffff  }
0x24: {  	v3 =	vld.idx.msk [tilespmem:v3+s15+$0x0], $0xffff  }
0x25: {  	s29 =	sand.u32 $0x3C00, s26;
	v4 =	vld.idx.msk [tilespmem:v4+s15+$0x0], $0xffff  }
0x26: {  	s30 =	sand.u32 $0x60, s28;
	s29 =	sadd.s32 $0x8800, s29;
	v6 =	vld.idx.msk [tilespmem:v6+s15+$0x0], $0xffff  }
0x27: {  	s31 =	sor.u32 s30, s29;
	v7 =	vld.idx.msk [tilespmem:v7+s15+$0x0], $0xffff  }
0x28: {  	v0 =	vld.idx.msk [tilespmem:v0+s15+$0x0], $0xffff;
	[tilespmem:s31+$0x0] =	vst v5  }
0x29: {  	[tilespmem:s31+$0x80] =	vst v1  }
0x2a: {  	s2 =	sand.u32 $0x3, s25;
	[tilespmem:s31+$0x100] =	vst v2  }
0x2b: {  	s2 =	sshll.u32 s2, $0x5;
	[tilespmem:s31+$0x180] =	vst v3  }
0x2c: {  	s2 =	sadd.s32 s2, s26;
	[tilespmem:s31+$0x200] =	vst v4  }
0x2d: {  	s6 =	sor.u32 $0x300, s2;
	[tilespmem:s31+$0x280] =	vst v6  }
0x2e: {  	s0 =	sand.u32 $0x780, s28;
	s30 =	sor.u32 $0x10, s30;
	s8 =	sor.u32 $0x380, s2;
	[tilespmem:s6+$0x8800] =	vst v7  }
0x2f: {  	s0 =	sor.u32 s30, s0;
	[tilespmem:s8+$0x8800] =	vst v0  }
0x30: {  	v0 =	vld [tilespmem:s0+$0x0];
	_ =	sdelay $0x4  }
0x31: {  	v58 =	vshll.u32 v0, $0x3  }
0x32: {  	v0 =	vand.u32 $0x7F, v0;
	v1 =	vand.u32 $0xFFFFFC00, v58  }
0x33: {  	v0 =	vor.u32 v0, v1  }
0x34: {  	v1 =	vor.u32 $0x80, v0  }
0x35: {  	v59 =	vor.u32 $0x100, v0  }
0x36: {  	v60 =	vor.u32 $0x180, v0  }
0x37: {  	v61 =	vor.u32 $0x200, v0  }
0x38: {  	v62 =	vor.u32 $0x280, v0;
	v5 =	vld.idx.msk [tilespmem:v0+s15+$0x0], $0xffff  }
0x39: {  	v63 =	vor.u32 $0x300, v0;
	v1 =	vld.idx.msk [tilespmem:v1+s15+$0x0], $0xffff  }
0x3a: {  	v0 =	vor.u32 $0x380, v0;
	v2 =	vld.idx.msk [tilespmem:v59+s15+$0x0], $0xffff  }
0x3b: {  	v3 =	vld.idx.msk [tilespmem:v60+s15+$0x0], $0xffff  }
0x3c: {  	v4 =	vld.idx.msk [tilespmem:v61+s15+$0x0], $0xffff  }
0x3d: {  	v6 =	vld.idx.msk [tilespmem:v62+s15+$0x0], $0xffff  }
0x3e: {  	s29 =	sor.u32 s30, s29;
	v7 =	vld.idx.msk [tilespmem:v63+s15+$0x0], $0xffff  }
0x3f: {  	v0 =	vld.idx.msk [tilespmem:v0+s15+$0x0], $0xffff;
	[tilespmem:s29+$0x0] =	vst v5  }
0x40: {  	[tilespmem:s29+$0x80] =	vst v1  }
0x41: {  	p0 =	sne.s32 s28, $0x7E0;
	[tilespmem:s29+$0x100] =	vst v2  }
.Ltmp0:
0x42: {  	[tilespmem:s29+$0x180] =	vst v3;
	(pc) =	sbr.rel @p0 .LBB2_2-.Ltmp0, $4  }
0x43: {  	s2 =	sadd.s32 $0x10, s2;
	[tilespmem:s29+$0x200] =	vst v4  }
0x44: {  	s30 =	sor.u32 $0x300, s2;
	[tilespmem:s29+$0x280] =	vst v6  }
0x45: {  	s25 =	sadd.s32 $0x1, s25;
	s31 =	sor.u32 $0x380, s2;
	[tilespmem:s30+$0x8800] =	vst v7  }
0x46: {  	s24 =	sadd.s32 $0x20, s24;
	s28 =	sadd.s32 $0x20, s28;
	s26 =	sadd.s32 $0x100, s26;
	[tilespmem:s31+$0x8800] =	vst v0  }
0x47: {  	s24 =	simm.s32 $0x0  }
0x48: {  	[hbm4b:s7+s24] =	stream.linear.scatter [tilespmem:s18], [sflag:$0x3], $0x4000, $0x38;
	[tilespmem:$0x10800] =	vst v63  }
0x49: {  	s0 =	rddreg [dreg:$0x5]  }
0x4a: {  	[tilespmem:s15], [sflag:$0x1] =	stream.linear.gather [hbm4b:s0+s24], $0x4000, $0x38;
	[tilespmem:$0x10800] =	vst v63  }
0x4b: {  	_ =	swait.ge [sflag:s19], $0x4000  }
0x4c: {  	s25 =	simm.s32 $0x0;
	[sflag:s19] =	ssyncset.done $0x0  }
0x4d: {  	s26 =	simm.s32 $0x0;
	s28 =	simm.s32 $0x0;
	[sflag:s19] =	ssyncadd.s32 $0xFFFFC000  }
.LBB2_4:
0x4e: {  	v0 =	vld [tilespmem:s24+$0x0];
	_ =	sdelay $0x4  }
0x4f: {  	v1 =	vshll.u32 v0, $0x3  }
0x50: {  	v0 =	vand.u32 $0x7F, v0;
	v1 =	vand.u32 $0xFFFFFC00, v1  }
0x51: {  	v0 =	vor.u32 v0, v1  }
0x52: {  	v1 =	vor.u32 $0x80, v0  }
0x53: {  	v2 =	vor.u32 $0x100, v0  }
0x54: {  	v3 =	vor.u32 $0x180, v0  }
0x55: {  	v4 =	vor.u32 $0x200, v0  }
0x56: {  	v6 =	vor.u32 $0x280, v0;
	v5 =	vld.idx.msk [tilespmem:v0+s16+$0x0], $0xffff  }
0x57: {  	v7 =	vor.u32 $0x300, v0;
	v1 =	vld.idx.msk [tilespmem:v1+s16+$0x0], $0xffff  }
0x58: {  	v0 =	vor.u32 $0x380, v0;
	v2 =	vld.idx.msk [tilespmem:v2+s16+$0x0], $0xffff  }
0x59: {  	v3 =	vld.idx.msk [tilespmem:v3+s16+$0x0], $0xffff  }
0x5a: {  	s0 =	sand.u32 $0x3C00, s26;
	v4 =	vld.idx.msk [tilespmem:v4+s16+$0x0], $0xffff  }
0x5b: {  	s2 =	sand.u32 $0x60, s28;
	s0 =	sadd.s32 $0xC800, s0;
	v6 =	vld.idx.msk [tilespmem:v6+s16+$0x0], $0xffff  }
0x5c: {  	s29 =	sor.u32 s2, s0;
	v7 =	vld.idx.msk [tilespmem:v7+s16+$0x0], $0xffff  }
0x5d: {  	v0 =	vld.idx.msk [tilespmem:v0+s16+$0x0], $0xffff;
	[tilespmem:s29+$0x0] =	vst v5  }
0x5e: {  	[tilespmem:s29+$0x80] =	vst v1  }
0x5f: {  	s30 =	sand.u32 $0x3, s25;
	[tilespmem:s29+$0x100] =	vst v2  }
0x60: {  	s30 =	sshll.u32 s30, $0x5;
	[tilespmem:s29+$0x180] =	vst v3  }
0x61: {  	s30 =	sadd.s32 s30, s26;
	[tilespmem:s29+$0x200] =	vst v4  }
0x62: {  	s3 =	sor.u32 $0x300, s30;
	[tilespmem:s29+$0x280] =	vst v6  }
0x63: {  	s31 =	sand.u32 $0x780, s28;
	s2 =	sor.u32 $0x10, s2;
	s6 =	sor.u32 $0x380, s30;
	[tilespmem:s3+$0xC800] =	vst v7  }
0x64: {  	s8 =	sor.u32 s2, s31;
	[tilespmem:s6+$0xC800] =	vst v0  }
0x65: {  	v0 =	vld [tilespmem:s8+$0x0];
	_ =	sdelay $0x4  }
0x66: {  	v58 =	vshll.u32 v0, $0x3  }
0x67: {  	v0 =	vand.u32 $0x7F, v0;
	v1 =	vand.u32 $0xFFFFFC00, v58  }
0x68: {  	v0 =	vor.u32 v0, v1  }
0x69: {  	v1 =	vor.u32 $0x80, v0  }
0x6a: {  	v59 =	vor.u32 $0x100, v0  }
0x6b: {  	v60 =	vor.u32 $0x180, v0  }
0x6c: {  	v61 =	vor.u32 $0x200, v0  }
0x6d: {  	v62 =	vor.u32 $0x280, v0;
	v5 =	vld.idx.msk [tilespmem:v0+s16+$0x0], $0xffff  }
0x6e: {  	v63 =	vor.u32 $0x300, v0;
	v1 =	vld.idx.msk [tilespmem:v1+s16+$0x0], $0xffff  }
0x6f: {  	v0 =	vor.u32 $0x380, v0;
	v2 =	vld.idx.msk [tilespmem:v59+s16+$0x0], $0xffff  }
0x70: {  	v3 =	vld.idx.msk [tilespmem:v60+s16+$0x0], $0xffff  }
0x71: {  	v4 =	vld.idx.msk [tilespmem:v61+s16+$0x0], $0xffff  }
0x72: {  	v6 =	vld.idx.msk [tilespmem:v62+s16+$0x0], $0xffff  }
0x73: {  	s0 =	sor.u32 s2, s0;
	v7 =	vld.idx.msk [tilespmem:v63+s16+$0x0], $0xffff  }
0x74: {  	v0 =	vld.idx.msk [tilespmem:v0+s16+$0x0], $0xffff;
	[tilespmem:s0+$0x0] =	vst v5  }
0x75: {  	[tilespmem:s0+$0x80] =	vst v1  }
0x76: {  	p0 =	sne.s32 s28, $0x7E0;
	[tilespmem:s0+$0x100] =	vst v2  }
.Ltmp1:
0x77: {  	[tilespmem:s0+$0x180] =	vst v3;
	(pc) =	sbr.rel @p0 .LBB2_4-.Ltmp1, $4  }
0x78: {  	s29 =	sadd.s32 $0x10, s30;
	[tilespmem:s0+$0x200] =	vst v4  }
0x79: {  	s30 =	sor.u32 $0x300, s29;
	[tilespmem:s0+$0x280] =	vst v6  }
0x7a: {  	s25 =	sadd.s32 $0x1, s25;
	s31 =	sor.u32 $0x380, s29;
	[tilespmem:s30+$0xC800] =	vst v7  }
0x7b: {  	s24 =	sadd.s32 $0x20, s24;
	s28 =	sadd.s32 $0x20, s28;
	s26 =	sadd.s32 $0x100, s26;
	[tilespmem:s31+$0xC800] =	vst v0  }
0x7c: {  	[hbm4b:s9+s4] =	stream.linear.scatter [tilespmem:s20], [sflag:$0x4], $0x4000, $0x38;
	[tilespmem:$0x10800] =	vst v63  }
0x7d: {  	s24 =	simm.s32 $0x1  }
0x7e: {  	[tilespmem:s16], [sflag:$0x2] =	stream.linear.gather [hbm4b:s10+s4], $0x4000, $0x38;
	[tilespmem:$0x10800] =	vst v63  }
.LBB2_6:
0x7f: {  	_ =	swait.ge [sflag:s17], $0x4000  }
0x80: {  	[sflag:s17] =	ssyncset.done $0x0  }
0x81: {  	[sflag:s17] =	ssyncadd.s32 $0xFFFFC000  }
0x82: {  	_ =	swait.ge [sflag:s21], $0x4000  }
0x83: {  	s25 =	simm.s32 $0x0;
	s26 =	simm.s32 $0x0;
	[sflag:s21] =	ssyncset.done $0x0  }
0x84: {  	s28 =	simm.s32 $0x0;
	s29 =	simm.s32 $0x0;
	[sflag:s21] =	ssyncadd.s32 $0xFFFFC000  }
.LBB2_7:
0x85: {  	v0 =	vld [tilespmem:s25+$0x0];
	_ =	sdelay $0x4  }
0x86: {  	v1 =	vshll.u32 v0, $0x3  }
0x87: {  	v0 =	vand.u32 $0x7F, v0;
	v1 =	vand.u32 $0xFFFFFC00, v1  }
0x88: {  	v0 =	vor.u32 v0, v1  }
0x89: {  	v1 =	vor.u32 $0x80, v0  }
0x8a: {  	v2 =	vor.u32 $0x100, v0  }
0x8b: {  	v3 =	vor.u32 $0x180, v0  }
0x8c: {  	v4 =	vor.u32 $0x200, v0  }
0x8d: {  	v6 =	vor.u32 $0x280, v0;
	v5 =	vld.idx.msk [tilespmem:v0+s15+$0x0], $0xffff  }
0x8e: {  	v7 =	vor.u32 $0x300, v0;
	v1 =	vld.idx.msk [tilespmem:v1+s15+$0x0], $0xffff  }
0x8f: {  	v0 =	vor.u32 $0x380, v0;
	v2 =	vld.idx.msk [tilespmem:v2+s15+$0x0], $0xffff  }
0x90: {  	v3 =	vld.idx.msk [tilespmem:v3+s15+$0x0], $0xffff  }
0x91: {  	s0 =	sand.u32 $0x3C00, s28;
	v4 =	vld.idx.msk [tilespmem:v4+s15+$0x0], $0xffff  }
0x92: {  	s2 =	sand.u32 $0x60, s29;
	s0 =	sadd.s32 $0x8800, s0;
	v6 =	vld.idx.msk [tilespmem:v6+s15+$0x0], $0xffff  }
0x93: {  	s30 =	sor.u32 s2, s0;
	v7 =	vld.idx.msk [tilespmem:v7+s15+$0x0], $0xffff  }
0x94: {  	v0 =	vld.idx.msk [tilespmem:v0+s15+$0x0], $0xffff;
	[tilespmem:s30+$0x0] =	vst v5  }
0x95: {  	[tilespmem:s30+$0x80] =	vst v1  }
0x96: {  	s31 =	sand.u32 $0x3, s26;
	[tilespmem:s30+$0x100] =	vst v2  }
0x97: {  	s31 =	sshll.u32 s31, $0x5;
	[tilespmem:s30+$0x180] =	vst v3  }
0x98: {  	s31 =	sadd.s32 s31, s28;
	[tilespmem:s30+$0x200] =	vst v4  }
0x99: {  	s3 =	sor.u32 $0x300, s31;
	[tilespmem:s30+$0x280] =	vst v6  }
0x9a: {  	s2 =	sor.u32 $0x10, s2;
	s6 =	sor.u32 $0x380, s31;
	[tilespmem:s3+$0x8800] =	vst v7;
	s3 =	sand.u32 $0x780, s29  }
0x9b: {  	s3 =	sor.u32 s2, s3;
	[tilespmem:s6+$0x8800] =	vst v0  }
0x9c: {  	v0 =	vld [tilespmem:s3+$0x0];
	_ =	sdelay $0x4  }
0x9d: {  	v58 =	vshll.u32 v0, $0x3  }
0x9e: {  	v0 =	vand.u32 $0x7F, v0;
	v1 =	vand.u32 $0xFFFFFC00, v58  }
0x9f: {  	v0 =	vor.u32 v0, v1  }
0xa0: {  	v1 =	vor.u32 $0x80, v0  }
0xa1: {  	v59 =	vor.u32 $0x100, v0  }
0xa2: {  	v60 =	vor.u32 $0x180, v0  }
0xa3: {  	v61 =	vor.u32 $0x200, v0  }
0xa4: {  	v62 =	vor.u32 $0x280, v0;
	v5 =	vld.idx.msk [tilespmem:v0+s15+$0x0], $0xffff  }
0xa5: {  	v63 =	vor.u32 $0x300, v0;
	v1 =	vld.idx.msk [tilespmem:v1+s15+$0x0], $0xffff  }
0xa6: {  	v0 =	vor.u32 $0x380, v0;
	v2 =	vld.idx.msk [tilespmem:v59+s15+$0x0], $0xffff  }
0xa7: {  	v3 =	vld.idx.msk [tilespmem:v60+s15+$0x0], $0xffff  }
0xa8: {  	v4 =	vld.idx.msk [tilespmem:v61+s15+$0x0], $0xffff  }
0xa9: {  	v6 =	vld.idx.msk [tilespmem:v62+s15+$0x0], $0xffff  }
0xaa: {  	s0 =	sor.u32 s2, s0;
	v7 =	vld.idx.msk [tilespmem:v63+s15+$0x0], $0xffff  }
0xab: {  	v0 =	vld.idx.msk [tilespmem:v0+s15+$0x0], $0xffff;
	[tilespmem:s0+$0x0] =	vst v5  }
0xac: {  	[tilespmem:s0+$0x80] =	vst v1  }
0xad: {  	p0 =	sne.s32 s29, $0x7E0;
	[tilespmem:s0+$0x100] =	vst v2  }
.Ltmp2:
0xae: {  	[tilespmem:s0+$0x180] =	vst v3;
	(pc) =	sbr.rel @p0 .LBB2_7-.Ltmp2, $4  }
0xaf: {  	s8 =	sadd.s32 $0x10, s31;
	[tilespmem:s0+$0x200] =	vst v4  }
0xb0: {  	s30 =	sor.u32 $0x300, s8;
	[tilespmem:s0+$0x280] =	vst v6  }
0xb1: {  	s26 =	sadd.s32 $0x1, s26;
	s31 =	sor.u32 $0x380, s8;
	[tilespmem:s30+$0x8800] =	vst v7  }
0xb2: {  	s25 =	sadd.s32 $0x20, s25;
	s28 =	sadd.s32 $0x100, s28;
	s29 =	sadd.s32 $0x20, s29;
	[tilespmem:s31+$0x8800] =	vst v0  }
0xb3: {  	s26 =	sshll.u32 s24, $0xC;
	s25 =	sshll.u32 s24, $0x1  }
0xb4: {  	s28 =	simm.s32 $0x0;
	s0 =	sadd.s32 s26, s7;
	s8 =	smin.u32 s25, $0x1D  }
0xb5: {  	[hbm4b:s0+s28] =	stream.linear.scatter [tilespmem:s18], [sflag:$0x3], $0x4000, $0x38;
	[tilespmem:$0x10800] =	vst v63  }
0xb6: {  	s0 =	sadd.s32 s8, s11  }
0xb7: {  	s0 =	sshll.u32 s0, $0xB  }
0xb8: {  	s0 =	sadd.s32 s1, s0  }
0xb9: {  	[tilespmem:s15], [sflag:$0x1] =	stream.linear.gather [hbm4b:s0+s28], $0x4000, $0x38;
	[tilespmem:$0x10800] =	vst v63  }
0xba: {  	_ =	swait.ge [sflag:s19], $0x4000  }
0xbb: {  	[sflag:s19] =	ssyncset.done $0x0  }
0xbc: {  	[sflag:s19] =	ssyncadd.s32 $0xFFFFC000  }
0xbd: {  	_ =	swait.ge [sflag:s22], $0x4000  }
0xbe: {  	s29 =	simm.s32 $0x0;
	[sflag:s22] =	ssyncset.done $0x0  }
0xbf: {  	s30 =	simm.s32 $0x0;
	s31 =	simm.s32 $0x0;
	[sflag:s22] =	ssyncadd.s32 $0xFFFFC000  }
.LBB2_9:
0xc0: {  	v0 =	vld [tilespmem:s28+$0x0];
	_ =	sdelay $0x4  }
0xc1: {  	v1 =	vshll.u32 v0, $0x3  }
0xc2: {  	v0 =	vand.u32 $0x7F, v0;
	v1 =	vand.u32 $0xFFFFFC00, v1  }
0xc3: {  	v0 =	vor.u32 v0, v1  }
0xc4: {  	v1 =	vor.u32 $0x80, v0  }
0xc5: {  	v2 =	vor.u32 $0x100, v0  }
0xc6: {  	v3 =	vor.u32 $0x180, v0  }
0xc7: {  	v4 =	vor.u32 $0x200, v0  }
0xc8: {  	v6 =	vor.u32 $0x280, v0;
	v5 =	vld.idx.msk [tilespmem:v0+s16+$0x0], $0xffff  }
0xc9: {  	v7 =	vor.u32 $0x300, v0;
	v1 =	vld.idx.msk [tilespmem:v1+s16+$0x0], $0xffff  }
0xca: {  	v0 =	vor.u32 $0x380, v0;
	v2 =	vld.idx.msk [tilespmem:v2+s16+$0x0], $0xffff  }
0xcb: {  	v3 =	vld.idx.msk [tilespmem:v3+s16+$0x0], $0xffff  }
0xcc: {  	s0 =	sand.u32 $0x3C00, s30;
	v4 =	vld.idx.msk [tilespmem:v4+s16+$0x0], $0xffff  }
0xcd: {  	s2 =	sand.u32 $0x60, s31;
	s0 =	sadd.s32 $0xC800, s0;
	v6 =	vld.idx.msk [tilespmem:v6+s16+$0x0], $0xffff  }
0xce: {  	s3 =	sor.u32 s2, s0;
	v7 =	vld.idx.msk [tilespmem:v7+s16+$0x0], $0xffff  }
0xcf: {  	v0 =	vld.idx.msk [tilespmem:v0+s16+$0x0], $0xffff;
	[tilespmem:s3+$0x0] =	vst v5  }
0xd0: {  	[tilespmem:s3+$0x80] =	vst v1  }
0xd1: {  	s6 =	sand.u32 $0x3, s29;
	[tilespmem:s3+$0x100] =	vst v2  }
0xd2: {  	s6 =	sshll.u32 s6, $0x5;
	[tilespmem:s3+$0x180] =	vst v3  }
0xd3: {  	s6 =	sadd.s32 s6, s30;
	[tilespmem:s3+$0x200] =	vst v4  }
0xd4: {  	s8 =	sor.u32 $0x300, s6;
	[tilespmem:s3+$0x280] =	vst v6  }
0xd5: {  	s2 =	sor.u32 $0x10, s2;
	s3 =	sor.u32 $0x380, s6;
	[tilespmem:s8+$0xC800] =	vst v7;
	s8 =	sand.u32 $0x780, s31  }
0xd6: {  	s8 =	sor.u32 s2, s8;
	[tilespmem:s3+$0xC800] =	vst v0  }
0xd7: {  	v0 =	vld [tilespmem:s8+$0x0];
	_ =	sdelay $0x4  }
0xd8: {  	v58 =	vshll.u32 v0, $0x3  }
0xd9: {  	v0 =	vand.u32 $0x7F, v0;
	v1 =	vand.u32 $0xFFFFFC00, v58  }
0xda: {  	v0 =	vor.u32 v0, v1  }
0xdb: {  	v1 =	vor.u32 $0x80, v0  }
0xdc: {  	v59 =	vor.u32 $0x100, v0  }
0xdd: {  	v60 =	vor.u32 $0x180, v0  }
0xde: {  	v61 =	vor.u32 $0x200, v0  }
0xdf: {  	v62 =	vor.u32 $0x280, v0;
	v5 =	vld.idx.msk [tilespmem:v0+s16+$0x0], $0xffff  }
0xe0: {  	v63 =	vor.u32 $0x300, v0;
	v1 =	vld.idx.msk [tilespmem:v1+s16+$0x0], $0xffff  }
0xe1: {  	v0 =	vor.u32 $0x380, v0;
	v2 =	vld.idx.msk [tilespmem:v59+s16+$0x0], $0xffff  }
0xe2: {  	v3 =	vld.idx.msk [tilespmem:v60+s16+$0x0], $0xffff  }
0xe3: {  	v4 =	vld.idx.msk [tilespmem:v61+s16+$0x0], $0xffff  }
0xe4: {  	v6 =	vld.idx.msk [tilespmem:v62+s16+$0x0], $0xffff  }
0xe5: {  	s0 =	sor.u32 s2, s0;
	v7 =	vld.idx.msk [tilespmem:v63+s16+$0x0], $0xffff  }
0xe6: {  	v0 =	vld.idx.msk [tilespmem:v0+s16+$0x0], $0xffff;
	[tilespmem:s0+$0x0] =	vst v5  }
0xe7: {  	[tilespmem:s0+$0x80] =	vst v1  }
0xe8: {  	p0 =	sne.s32 s31, $0x7E0;
	[tilespmem:s0+$0x100] =	vst v2  }
.Ltmp3:
0xe9: {  	[tilespmem:s0+$0x180] =	vst v3;
	(pc) =	sbr.rel @p0 .LBB2_9-.Ltmp3, $4  }
0xea: {  	s3 =	sadd.s32 $0x10, s6;
	[tilespmem:s0+$0x200] =	vst v4  }
0xeb: {  	s6 =	sor.u32 $0x300, s3;
	[tilespmem:s0+$0x280] =	vst v6  }
0xec: {  	s29 =	sadd.s32 $0x1, s29;
	s8 =	sor.u32 $0x380, s3;
	[tilespmem:s6+$0xC800] =	vst v7  }
0xed: {  	s28 =	sadd.s32 $0x20, s28;
	s30 =	sadd.s32 $0x100, s30;
	s31 =	sadd.s32 $0x20, s31;
	[tilespmem:s8+$0xC800] =	vst v0  }
0xee: {  	s0 =	sadd.s32 s9, s26;
	s24 =	sadd.s32 $0x1, s24  }
0xef: {  	[hbm4b:s0+s4] =	stream.linear.scatter [tilespmem:s20], [sflag:$0x4], $0x4000, $0x38;
	[tilespmem:$0x10800] =	vst v63  }
0xf0: {  	p0 =	sne.s32 s24, $0x10  }
.Ltmp4:
0xf1: {  	s31 =	smin.u32 s25, $0x1C;
	(pc) =	sbr.rel @p0 .LBB2_6-.Ltmp4, $4  }
0xf2: {  	s0 =	sadd.s32 s31, s12  }
0xf3: {  	s0 =	sshll.u32 s0, $0xB  }
0xf4: {  	s0 =	sadd.s32 s1, s0  }
0xf5: {  	[tilespmem:s16], [sflag:$0x2] =	stream.linear.gather [hbm4b:s0+s4], $0x4000, $0x38;
	[tilespmem:$0x10800] =	vst v63  }
0xf6: {  	_ =	swait.ge [sflag:s17], $0x4000  }
0xf7: {  	[sflag:s17] =	ssyncset.done $0x0  }
0xf8: {  	[sflag:s17] =	ssyncadd.s32 $0xFFFFC000  }
0xf9: {  	_ =	swait.ge [sflag:s19], $0x4000  }
0xfa: {  	[sflag:s19] =	ssyncset.done $0x0  }
0xfb: {  	s23 =	sadd.s32 $0x1, s23;
	[sflag:s19] =	ssyncadd.s32 $0xFFFFC000  }
0xfc: {  	p0 =	sne.s32 s23, s13;
	_ =	swait.ge [sflag:s21], $0x4000  }
.Ltmp5:
0xfd: {  	[sflag:s21] =	ssyncset.done $0x0;
	(pc) =	sbr.rel @p0 .LBB2_1-.Ltmp5, $4  }
0xfe: {  	[sflag:s21] =	ssyncadd.s32 $0xFFFFC000  }
0xff: {  	_ =	swait.ge [sflag:s22], $0x4000  }
0x100: {  	[sflag:s22] =	ssyncset.done $0x0  }
0x101: {  	[sflag:s22] =	ssyncadd.s32 $0xFFFFC000  }
0x102: {  	_ =	sfence.sel $0x180000  }
0x103: {  	[bflag:$0x0] =	sbarrier.arrive $0xFFFF  }
0x104: {  	_ =	strace $0x90000047  }
0x105: {  	s0 =	stileid.u32;
	[bflag:$0x2] =	sbarrier.arrive $0xFFFF  }
0x106: {  	p0 =	sne.s32 s0, $0x0;
	s0 =	rddreg [dreg:$0x3]  }
0x107: {  	s0 =	sadd.s32 @!p0 $0x100000, s0  }
0x108: {  	[sflag:s0] =	ssyncadd.tile.s32 @!p0 $0x1;
	_ =	shalt  }
.Lfunc_end2:
_tile_overlayer_lowered:
.L_overlay_start_2:
0x109: {  	(tag) =	ssettag $0x2  }
0x10a: {  	s0 =	rddreg [dreg:$0x0];
	s2 =	stileid.u32  }
0x10b: {  	s1 =	rddreg [dreg:$0x1];
	p0 =	sne.s32 s2, $0x0  }
0x10c: {  	s3 =	rddreg [dreg:$0x2];
	[bflag:$0x3] =	sbarrier.arrive $0xFFFF;
	s2 =	simm.s32 @!p0 $0x1C05  }
0x10d: {  	[timem:s3], [sflag:s2] =	dma.local @!p0 [hbm:s0], s1  }
0x10e: {  	s0 =	simm.s32 @!p0 $0x5  }
0x10f: {  	_ =	swait.ge @!p0 [sflag:s0], s1  }
0x110: {  	s1 =	ssub.s32 @!p0 $0x0, s1;
	[sflag:s0] =	ssyncset.done @!p0 $0x0  }
0x111: {  	[sflag:s0] =	ssyncadd.s32 @!p0 s1  }
0x112: {  	[bflag:$0x3] =	sbarrier.arrive $0xFFFF  }
0x113: {  	_ =	shalt  }

</sc_bundles>
